<compile_context>
chip_gen: v7x
topology: tpu7x:2x2x1
jax: 0.10.2.dev20260603
libtpu: 0.0.44.dev20260713+nightly
codegen_flags: <defaults>
</compile_context>

<pallas_src>
import functools

import jax
import jax.numpy as jnp
from jax import lax
from jax.experimental import pallas as pl
from jax.experimental.pallas import tpu as pltpu
from jax.experimental.pallas import tpu_sc as plsc

_B, _N, _PD, _C, _K, _P = 4, 4096, 3, 32, 16, 32
_H1 = 2 * _P
_R = 256
_NC, _NS = 2, 16
_NW = _NC * _NS
_GC = 128
_CH = (_B * _N * _K) // (_NW * _GC)
_RN3 = 128


def _select_body(pts_ref, ptsT_ref, feat_ref, w1a_ref, w1g_ref, b1_ref,
                 idx_ref, fg_ref):
    b = pl.program_id(0)
    p = pts_ref[0]
    pT = ptsT_ref[0]
    m = jnp.dot(p, pT, preferred_element_type=jnp.float32)
    r = jnp.sum(p * p, axis=1, keepdims=True)
    c = jnp.sum(pT * pT, axis=0, keepdims=True)
    D = r - 2.0 * m + c + 1e-5

    fiota = lax.broadcasted_iota(jnp.int32, (_R, _N), 1).astype(jnp.float32)
    kiota = lax.broadcasted_iota(jnp.int32, (_R, _K), 1)
    acc = jnp.zeros((_R, _K), dtype=jnp.float32)
    big = jnp.float32(jnp.inf)
    bigf = jnp.float32(1e30)
    for j in range(_K + 1):
        v = jnp.min(D, axis=1, keepdims=True)
        cand = jnp.where(D == v, fiota, bigf)
        amin = jnp.min(cand, axis=1, keepdims=True)
        D = jnp.where(cand == amin, big, D)
        if j > 0:
            acc = jnp.where(kiota == (j - 1), amin, acc)
    idx_ref[...] = acc.astype(jnp.int32) + b * _N

    f = feat_ref[0]
    f1 = jnp.dot(f, w1a_ref[...], preferred_element_type=jnp.float32)
    g1 = (jnp.dot(f, w1g_ref[...], preferred_element_type=jnp.float32)
          + b1_ref[...])
    fg_ref[...] = jnp.concatenate([f1, g1], axis=-1)


def _gelu(x):
    return x * (0.5 * (1.0 + lax.erf(x * 0.7071067811865476)))


def _mlp_body(h_ref, fg_ref, w2_ref, b2_ref, out_ref):
    h = h_ref[...][:, :_H1]
    g = fg_ref[...][:, _H1:]
    x = h.reshape(_RN3, _K, _H1) + g[:, None, :]
    x = _gelu(x)
    y = jnp.dot(x.reshape(_RN3 * _K, _H1), w2_ref[...],
                preferred_element_type=jnp.float32) + b2_ref[...]
    y = _gelu(y)
    out_ref[...] = jnp.sum(y.reshape(_RN3, _K, _P), axis=1) * (1.0 / _K)


def _sc_gather_body(f1_hbm, idx_hbm, out_hbm, idx_v, rows_v, sem):
    ch = idx_v.shape[0]
    wid = lax.axis_index("s") * _NC + lax.axis_index("c")
    pltpu.sync_copy(idx_hbm.at[pl.ds(wid * ch, ch)], idx_v)

    def body(j, carry):
        pltpu.async_copy(f1_hbm.at[idx_v.at[j]], rows_v, sem).wait()
        pltpu.sync_copy(rows_v,
                        out_hbm.at[pl.ds(wid * ch * _GC + j * _GC, _GC)])
        return carry

    lax.fori_loop(0, ch, body, 0)


def _half_chain(points_h, features_h, W1a, W1g, b1r, W2, b2r, mesh):
    f32 = jnp.float32
    bh = points_h.shape[0]
    pts_pad = jnp.concatenate(
        [points_h, jnp.zeros((bh, _N, 8 - _PD), f32)], axis=-1)
    ptsT = jnp.swapaxes(pts_pad, 1, 2)

    grid1 = (bh, _N // _R)
    idx, FG = pl.pallas_call(
        _select_body,
        grid=grid1,
        in_specs=[
            pl.BlockSpec((1, _R, 8), lambda b, i: (b, i, 0)),
            pl.BlockSpec((1, 8, _N), lambda b, i: (b, 0, 0)),
            pl.BlockSpec((1, _R, _C), lambda b, i: (b, i, 0)),
            pl.BlockSpec((_C, _H1), lambda b, i: (0, 0)),
            pl.BlockSpec((_C, _H1), lambda b, i: (0, 0)),
            pl.BlockSpec((1, _H1), lambda b, i: (0, 0)),
        ],
        out_specs=[
            pl.BlockSpec((_R, _K), lambda b, i: (b * (_N // _R) + i, 0)),
            pl.BlockSpec((_R, 2 * _H1), lambda b, i: (b * (_N // _R) + i, 0)),
        ],
        out_shape=[
            jax.ShapeDtypeStruct((bh * _N, _K), jnp.int32),
            jax.ShapeDtypeStruct((bh * _N, 2 * _H1), f32),
        ],
    )(pts_pad, ptsT, features_h, W1a, W1g, b1r)

    ch = (bh * _N * _K) // (_NW * _GC)
    sc_gather = functools.partial(
        pl.kernel,
        out_type=jax.ShapeDtypeStruct((bh * _N * _K, 2 * _H1), f32),
        mesh=mesh,
        scratch_types=[
            pltpu.VMEM((ch, _GC), jnp.int32),
            pltpu.VMEM((_GC, 2 * _H1), f32),
            pltpu.SemaphoreType.DMA,
        ],
    )(_sc_gather_body)
    H = sc_gather(FG, idx.reshape(_NW * ch, _GC))

    grid3 = ((bh * _N) // _RN3,)
    out = pl.pallas_call(
        _mlp_body,
        grid=grid3,
        in_specs=[
            pl.BlockSpec((_RN3 * _K, 2 * _H1), lambda i: (i, 0)),
            pl.BlockSpec((_RN3, 2 * _H1), lambda i: (i, 0)),
            pl.BlockSpec((_H1, _P), lambda i: (0, 0)),
            pl.BlockSpec((1, _P), lambda i: (0, 0)),
        ],
        out_specs=pl.BlockSpec((_RN3, _P), lambda i: (i, 0)),
        out_shape=jax.ShapeDtypeStruct((bh * _N, _P), f32),
    )(H, FG, W2, b2r)
    return out


def kernel(points, features, W1, b1, W2, b2):
    W1a = W1[:_C]
    W1g = W1[_C:] - W1a
    b1r = b1.reshape(1, _H1)
    b2r = b2.reshape(1, _P)
    mesh = plsc.VectorSubcoreMesh(core_axis_name="c", subcore_axis_name="s",
                                  num_cores=_NC, num_subcores=_NS)
    hb = _B // 2
    out0 = _half_chain(points[:hb], features[:hb], W1a, W1g, b1r, W2, b2r, mesh)
    out1 = _half_chain(points[hb:], features[hb:], W1a, W1g, b1r, W2, b2r, mesh)
    return jnp.concatenate([out0, out1], axis=0).reshape(_B, _N, _P)

# --- scband reference (transcript-rebuilt; emitter-appended) ---
"""Pipeline reference for scband-local-embedding-layer-48550310314553 (READ-ONLY COPY).

The authoritative reference and input builder live on the scoring server;
editing this copy changes nothing except your own understanding.
"""

import jax, jax.numpy as jnp
import numpy as np

B, N, PD, C, K, P = 4, 4096, 3, 32, 16, 32

def setup_inputs(seed: int = 0) -> dict:
    key = jax.random.key(seed)
    k1, k2, k3, k4 = jax.random.split(key, 4)
    points = jax.random.normal(k1, (B, N, PD), dtype=jnp.float32)
    features = jax.random.normal(k2, (B, N, C), dtype=jnp.float32)
    # MLP params: Linear(2*C -> 2*P), Linear(2*P -> P)
    W1 = jax.random.normal(k3, (2 * C, 2 * P), dtype=jnp.float32) * 0.05
    b1 = jnp.zeros((2 * P,), dtype=jnp.float32)
    W2 = jax.random.normal(k4, (2 * P, P), dtype=jnp.float32) * 0.05
    b2 = jnp.zeros((P,), dtype=jnp.float32)
    return {"points": points, "features": features, "W1": W1, "b1": b1, "W2": W2, "b2": b2}

def pairwise_distance(points):
    r = jnp.sum(points * points, axis=2, keepdims=True)  # [B,N,1]
    m = jnp.einsum('bnd,bmd->bnm', points, points)        # [B,N,N]
    D = r - 2.0 * m + jnp.swapaxes(r, 1, 2) + 1e-05
    return D

def reference(points, features, W1, b1, W2, b2):
    D = pairwise_distance(points)
    _, idx = jax.lax.top_k(-D, K + 1)          # [B,N,K+1]
    idx = idx[:, :, 1:]                        # drop self -> [B,N,K]
    # gather neighbors per batch: features[b, idx[b]]
    neighbors = jax.vmap(lambda f, i: f[i])(features, idx)  # [B,N,K,C]
    center = jnp.broadcast_to(features[:, :, None, :], neighbors.shape)
    local = jnp.concatenate([neighbors - center, center], axis=-1)  # [B,N,K,2C]
    h = jax.nn.gelu(local @ W1 + b1, approximate=False)
    h = jax.nn.gelu(h @ W2 + b2, approximate=False)
    out = jnp.mean(h, axis=2)                  # [B,N,P]
    return out

if __name__ == "__main__":
    import jax
    _d = setup_inputs()
    print(jax.jit(kernel)(*tuple(_d.values())))

</pallas_src>

<mosaic_0001>
#map = affine_map<(d0, d1) -> (0, 0)>
module attributes {stable_mosaic.version = 14 : i64} {
  func.func @_sc_gather_body(%arg0: i32, %arg1: i32, %arg2: memref<8192x128xf32, #tpu.memory_space<hbm>>, %arg3: memref<1024x128xi32, #tpu.memory_space<hbm>>, %arg4: memref<131072x128xf32, #tpu.memory_space<hbm>>, %arg5: memref<32x128xi32, #tpu.memory_space<vmem>>, %arg6: memref<128x128xf32, #tpu.memory_space<vmem>>, %arg7: memref<!tpu.dma_semaphore, #tpu.memory_space<semaphore_mem>>) attributes {dimension_semantics = [#tpu.dimension_semantics<core_parallel>, #tpu.dimension_semantics<subcore_parallel>], iteration_bounds = array<i64: 2, 16>, scalar_prefetch = 0 : i64, scratch_operands = 3 : i64, tpu.core_type = #tpu.core_type<sc_vector_subcore>, window_params = [{transform_indices = #map}, {transform_indices = #map}, {transform_indices = #map}]} {
    %mul3A = arith.constant 2 : i32
    %mul3A_0 = arith.muli %arg1, %mul3A : i32
    %add3A = arith.addi %mul3A_0, %arg0 : i32
    %mul3A_1 = arith.constant 32 : i32
    %mul3A_2 = arith.muli %add3A, %mul3A_1 : i32
    "tpu.region"() ({
      %run_scoped3A = tpu.sem_alloc : memref<!tpu.dma_semaphore, #tpu.memory_space<semaphore_mem>>
      %dma_start3A = arith.constant 0 : i32
      %dma_start3A_8 = tpu.memref_slice %arg3[%mul3A_2, %dma_start3A] : memref<1024x128xi32, #tpu.memory_space<hbm>> -> memref<32x128xi32, #tpu.memory_space<hbm>>
      %dma_start3A_9 = arith.constant 0 : i32
      %dma_start3A_10 = tpu.memref_slice %arg3[%mul3A_2, %dma_start3A_9] : memref<1024x128xi32, #tpu.memory_space<hbm>> -> memref<32x128xi32, #tpu.memory_space<hbm>>
      tpu.enqueue_dma source(%dma_start3A_10 : memref<32x128xi32, #tpu.memory_space<hbm>>) target(%arg5 : memref<32x128xi32, #tpu.memory_space<vmem>>) target_semaphore(%run_scoped3A : memref<!tpu.dma_semaphore, #tpu.memory_space<semaphore_mem>>)
      %dma_wait3A = arith.constant 0 : i32
      %dma_wait3A_11 = tpu.memref_slice %arg3[%mul3A_2, %dma_wait3A] : memref<1024x128xi32, #tpu.memory_space<hbm>> -> memref<32x128xi32, #tpu.memory_space<hbm>>
      %dma_wait3A_12 = arith.constant 0 : i32
      %dma_wait3A_13 = tpu.memref_slice %arg3[%mul3A_2, %dma_wait3A_12] : memref<1024x128xi32, #tpu.memory_space<hbm>> -> memref<32x128xi32, #tpu.memory_space<hbm>>
      tpu.wait_dma2 semaphore(%run_scoped3A : memref<!tpu.dma_semaphore, #tpu.memory_space<semaphore_mem>>) src(%dma_wait3A_13 : memref<32x128xi32, #tpu.memory_space<hbm>>) dst(%arg5 : memref<32x128xi32, #tpu.memory_space<vmem>>)
      tpu.yield
    }) : () -> ()
    %scan3A = arith.constant 0 : i32
    %scan3A_3 = arith.constant 0 : i32
    %scan3A_4 = arith.constant 32 : i32
    %scan3A_5 = arith.addi %scan3A_3, %scan3A_4 : i32
    %scan3A_6 = arith.constant 1 : i32
    scf.for %scan3A_8 = %scan3A_3 to %scan3A_5 step %scan3A_6  : i32 {
      %dma_start3A = arith.constant 0 : i32
      %dma_start3A_9 = tpu.memref_slice %arg5[%scan3A_8, %dma_start3A] : memref<32x128xi32, #tpu.memory_space<vmem>> -> memref<1x128xi32, #tpu.memory_space<vmem>>
      %dma_start3A_10 = tpu.memref_squeeze %dma_start3A_9 : memref<1x128xi32, #tpu.memory_space<vmem>> -> memref<128xi32, #tpu.memory_space<vmem>>
      %dma_start3A_11 = arith.constant 0 : i32
      %dma_start3A_12 = arith.constant 0 : i32
      %dma_start3A_13 = tpu.memref_slice %arg2[%dma_start3A_11, %dma_start3A_12] : memref<8192x128xf32, #tpu.memory_space<hbm>> -> memref<8192x128xf32, #tpu.memory_space<hbm>>
      tpu.enqueue_indirect_dma source(%dma_start3A_13 : memref<8192x128xf32, #tpu.memory_space<hbm>>) target(%arg6 : memref<128x128xf32, #tpu.memory_space<vmem>>) offsets(%dma_start3A_10 : memref<128xi32, #tpu.memory_space<vmem>>) semaphore(%arg7 : memref<!tpu.dma_semaphore, #tpu.memory_space<semaphore_mem>>)
      %dma_wait3A = arith.constant 0 : i32
      %dma_wait3A_14 = tpu.memref_slice %arg5[%scan3A_8, %dma_wait3A] : memref<32x128xi32, #tpu.memory_space<vmem>> -> memref<1x128xi32, #tpu.memory_space<vmem>>
      %dma_wait3A_15 = tpu.memref_squeeze %dma_wait3A_14 : memref<1x128xi32, #tpu.memory_space<vmem>> -> memref<128xi32, #tpu.memory_space<vmem>>
      %dma_wait3A_16 = arith.constant 0 : i32
      %dma_wait3A_17 = arith.constant 0 : i32
      %dma_wait3A_18 = tpu.memref_slice %arg2[%dma_wait3A_16, %dma_wait3A_17] : memref<8192x128xf32, #tpu.memory_space<hbm>> -> memref<8192x128xf32, #tpu.memory_space<hbm>>
      tpu.wait_indirect_dma semaphore(%arg7 : memref<!tpu.dma_semaphore, #tpu.memory_space<semaphore_mem>>) src(%dma_wait3A_18 : memref<8192x128xf32, #tpu.memory_space<hbm>>) dst(%arg6 : memref<128x128xf32, #tpu.memory_space<vmem>>)
      %mul3A_19 = arith.constant 32 : i32
      %mul3A_20 = arith.muli %add3A, %mul3A_19 : i32
      %mul3A_21 = arith.constant 128 : i32
      %mul3A_22 = arith.muli %mul3A_20, %mul3A_21 : i32
      %mul3A_23 = arith.constant 128 : i32
      %mul3A_24 = arith.muli %scan3A_8, %mul3A_23 : i32
      %add3A_25 = arith.addi %mul3A_22, %mul3A_24 : i32
      "tpu.region"() ({
        %run_scoped3A = tpu.sem_alloc : memref<!tpu.dma_semaphore, #tpu.memory_space<semaphore_mem>>
        %dma_start3A_26 = arith.constant 0 : i32
        %dma_start3A_27 = tpu.memref_slice %arg4[%add3A_25, %dma_start3A_26] : memref<131072x128xf32, #tpu.memory_space<hbm>> -> memref<128x128xf32, #tpu.memory_space<hbm>>
        %dma_start3A_28 = arith.constant 0 : i32
        %dma_start3A_29 = tpu.memref_slice %arg4[%add3A_25, %dma_start3A_28] : memref<131072x128xf32, #tpu.memory_space<hbm>> -> memref<128x128xf32, #tpu.memory_space<hbm>>
        tpu.enqueue_dma source(%arg6 : memref<128x128xf32, #tpu.memory_space<vmem>>) target(%dma_start3A_29 : memref<128x128xf32, #tpu.memory_space<hbm>>) target_semaphore(%run_scoped3A : memref<!tpu.dma_semaphore, #tpu.memory_space<semaphore_mem>>)
        %dma_wait3A_30 = arith.constant 0 : i32
        %dma_wait3A_31 = tpu.memref_slice %arg4[%add3A_25, %dma_wait3A_30] : memref<131072x128xf32, #tpu.memory_space<hbm>> -> memref<128x128xf32, #tpu.memory_space<hbm>>
        %dma_wait3A_32 = arith.constant 0 : i32
        %dma_wait3A_33 = tpu.memref_slice %arg4[%add3A_25, %dma_wait3A_32] : memref<131072x128xf32, #tpu.memory_space<hbm>> -> memref<128x128xf32, #tpu.memory_space<hbm>>
        tpu.wait_dma2 semaphore(%run_scoped3A : memref<!tpu.dma_semaphore, #tpu.memory_space<semaphore_mem>>) src(%arg6 : memref<128x128xf32, #tpu.memory_space<vmem>>) dst(%dma_wait3A_33 : memref<128x128xf32, #tpu.memory_space<hbm>>)
        tpu.yield
      }) : () -> ()
    }
    %scan3A_7 = arith.constant 32 : i32
    return
  }
}

#map = affine_map<(d0, d1) -> (0, 0)>
module attributes {stable_mosaic.version = 14 : i64} {
  func.func @_sc_gather_body(%arg0: i32, %arg1: i32, %arg2: memref<8192x128xf32, #tpu.memory_space<hbm>>, %arg3: memref<1024x128xi32, #tpu.memory_space<hbm>>, %arg4: memref<131072x128xf32, #tpu.memory_space<hbm>>, %arg5: memref<32x128xi32, #tpu.memory_space<vmem>>, %arg6: memref<128x128xf32, #tpu.memory_space<vmem>>, %arg7: memref<!tpu.dma_semaphore, #tpu.memory_space<semaphore_mem>>) attributes {dimension_semantics = [#tpu.dimension_semantics<core_parallel>, #tpu.dimension_semantics<subcore_parallel>], iteration_bounds = array<i64: 2, 16>, scalar_prefetch = 0 : i64, scratch_operands = 3 : i64, tpu.core_type = #tpu.core_type<sc_vector_subcore>, window_params = [{transform_indices = #map}, {transform_indices = #map}, {transform_indices = #map}]} {
    %mul3A = arith.constant 2 : i32
    %mul3A_0 = arith.muli %arg1, %mul3A : i32
    %add3A = arith.addi %mul3A_0, %arg0 : i32
    %mul3A_1 = arith.constant 32 : i32
    %mul3A_2 = arith.muli %add3A, %mul3A_1 : i32
    "tpu.region"() ({
      %run_scoped3A = tpu.sem_alloc : memref<!tpu.dma_semaphore, #tpu.memory_space<semaphore_mem>>
      %dma_start3A = arith.constant 0 : i32
      %dma_start3A_8 = tpu.memref_slice %arg3[%mul3A_2, %dma_start3A] : memref<1024x128xi32, #tpu.memory_space<hbm>> -> memref<32x128xi32, #tpu.memory_space<hbm>>
      %dma_start3A_9 = arith.constant 0 : i32
      %dma_start3A_10 = tpu.memref_slice %arg3[%mul3A_2, %dma_start3A_9] : memref<1024x128xi32, #tpu.memory_space<hbm>> -> memref<32x128xi32, #tpu.memory_space<hbm>>
      tpu.enqueue_dma source(%dma_start3A_10 : memref<32x128xi32, #tpu.memory_space<hbm>>) target(%arg5 : memref<32x128xi32, #tpu.memory_space<vmem>>) target_semaphore(%run_scoped3A : memref<!tpu.dma_semaphore, #tpu.memory_space<semaphore_mem>>)
      %dma_wait3A = arith.constant 0 : i32
      %dma_wait3A_11 = tpu.memref_slice %arg3[%mul3A_2, %dma_wait3A] : memref<1024x128xi32, #tpu.memory_space<hbm>> -> memref<32x128xi32, #tpu.memory_space<hbm>>
      %dma_wait3A_12 = arith.constant 0 : i32
      %dma_wait3A_13 = tpu.memref_slice %arg3[%mul3A_2, %dma_wait3A_12] : memref<1024x128xi32, #tpu.memory_space<hbm>> -> memref<32x128xi32, #tpu.memory_space<hbm>>
      tpu.wait_dma2 semaphore(%run_scoped3A : memref<!tpu.dma_semaphore, #tpu.memory_space<semaphore_mem>>) src(%dma_wait3A_13 : memref<32x128xi32, #tpu.memory_space<hbm>>) dst(%arg5 : memref<32x128xi32, #tpu.memory_space<vmem>>)
      tpu.yield
    }) : () -> ()
    %scan3A = arith.constant 0 : i32
    %scan3A_3 = arith.constant 0 : i32
    %scan3A_4 = arith.constant 32 : i32
    %scan3A_5 = arith.addi %scan3A_3, %scan3A_4 : i32
    %scan3A_6 = arith.constant 1 : i32
    scf.for %scan3A_8 = %scan3A_3 to %scan3A_5 step %scan3A_6  : i32 {
      %dma_start3A = arith.constant 0 : i32
      %dma_start3A_9 = tpu.memref_slice %arg5[%scan3A_8, %dma_start3A] : memref<32x128xi32, #tpu.memory_space<vmem>> -> memref<1x128xi32, #tpu.memory_space<vmem>>
      %dma_start3A_10 = tpu.memref_squeeze %dma_start3A_9 : memref<1x128xi32, #tpu.memory_space<vmem>> -> memref<128xi32, #tpu.memory_space<vmem>>
      %dma_start3A_11 = arith.constant 0 : i32
      %dma_start3A_12 = arith.constant 0 : i32
      %dma_start3A_13 = tpu.memref_slice %arg2[%dma_start3A_11, %dma_start3A_12] : memref<8192x128xf32, #tpu.memory_space<hbm>> -> memref<8192x128xf32, #tpu.memory_space<hbm>>
      tpu.enqueue_indirect_dma source(%dma_start3A_13 : memref<8192x128xf32, #tpu.memory_space<hbm>>) target(%arg6 : memref<128x128xf32, #tpu.memory_space<vmem>>) offsets(%dma_start3A_10 : memref<128xi32, #tpu.memory_space<vmem>>) semaphore(%arg7 : memref<!tpu.dma_semaphore, #tpu.memory_space<semaphore_mem>>)
      %dma_wait3A = arith.constant 0 : i32
      %dma_wait3A_14 = tpu.memref_slice %arg5[%scan3A_8, %dma_wait3A] : memref<32x128xi32, #tpu.memory_space<vmem>> -> memref<1x128xi32, #tpu.memory_space<vmem>>
      %dma_wait3A_15 = tpu.memref_squeeze %dma_wait3A_14 : memref<1x128xi32, #tpu.memory_space<vmem>> -> memref<128xi32, #tpu.memory_space<vmem>>
      %dma_wait3A_16 = arith.constant 0 : i32
      %dma_wait3A_17 = arith.constant 0 : i32
      %dma_wait3A_18 = tpu.memref_slice %arg2[%dma_wait3A_16, %dma_wait3A_17] : memref<8192x128xf32, #tpu.memory_space<hbm>> -> memref<8192x128xf32, #tpu.memory_space<hbm>>
      tpu.wait_indirect_dma semaphore(%arg7 : memref<!tpu.dma_semaphore, #tpu.memory_space<semaphore_mem>>) src(%dma_wait3A_18 : memref<8192x128xf32, #tpu.memory_space<hbm>>) dst(%arg6 : memref<128x128xf32, #tpu.memory_space<vmem>>)
      %mul3A_19 = arith.constant 32 : i32
      %mul3A_20 = arith.muli %add3A, %mul3A_19 : i32
      %mul3A_21 = arith.constant 128 : i32
      %mul3A_22 = arith.muli %mul3A_20, %mul3A_21 : i32
      %mul3A_23 = arith.constant 128 : i32
      %mul3A_24 = arith.muli %scan3A_8, %mul3A_23 : i32
      %add3A_25 = arith.addi %mul3A_22, %mul3A_24 : i32
      "tpu.region"() ({
        %run_scoped3A = tpu.sem_alloc : memref<!tpu.dma_semaphore, #tpu.memory_space<semaphore_mem>>
        %dma_start3A_26 = arith.constant 0 : i32
        %dma_start3A_27 = tpu.memref_slice %arg4[%add3A_25, %dma_start3A_26] : memref<131072x128xf32, #tpu.memory_space<hbm>> -> memref<128x128xf32, #tpu.memory_space<hbm>>
        %dma_start3A_28 = arith.constant 0 : i32
        %dma_start3A_29 = tpu.memref_slice %arg4[%add3A_25, %dma_start3A_28] : memref<131072x128xf32, #tpu.memory_space<hbm>> -> memref<128x128xf32, #tpu.memory_space<hbm>>
        tpu.enqueue_dma source(%arg6 : memref<128x128xf32, #tpu.memory_space<vmem>>) target(%dma_start3A_29 : memref<128x128xf32, #tpu.memory_space<hbm>>) target_semaphore(%run_scoped3A : memref<!tpu.dma_semaphore, #tpu.memory_space<semaphore_mem>>)
        %dma_wait3A_30 = arith.constant 0 : i32
        %dma_wait3A_31 = tpu.memref_slice %arg4[%add3A_25, %dma_wait3A_30] : memref<131072x128xf32, #tpu.memory_space<hbm>> -> memref<128x128xf32, #tpu.memory_space<hbm>>
        %dma_wait3A_32 = arith.constant 0 : i32
        %dma_wait3A_33 = tpu.memref_slice %arg4[%add3A_25, %dma_wait3A_32] : memref<131072x128xf32, #tpu.memory_space<hbm>> -> memref<128x128xf32, #tpu.memory_space<hbm>>
        tpu.wait_dma2 semaphore(%run_scoped3A : memref<!tpu.dma_semaphore, #tpu.memory_space<semaphore_mem>>) src(%arg6 : memref<128x128xf32, #tpu.memory_space<vmem>>) dst(%dma_wait3A_33 : memref<128x128xf32, #tpu.memory_space<hbm>>)
        tpu.yield
      }) : () -> ()
    }
    %scan3A_7 = arith.constant 32 : i32
    return
  }
}

module attributes {stable_mosaic.version = 14 : i64} {
  func.func @_select_body(%arg0: i32, %arg1: i32, %arg2: memref<1x256x8xf32, #tpu.memory_space<vmem>>, %arg3: memref<1x8x4096xf32, #tpu.memory_space<vmem>>, %arg4: memref<1x256x32xf32, #tpu.memory_space<vmem>>, %arg5: memref<32x64xf32, #tpu.memory_space<vmem>>, %arg6: memref<32x64xf32, #tpu.memory_space<vmem>>, %arg7: memref<1x64xf32, #tpu.memory_space<vmem>>, %arg8: memref<256x16xi32, #tpu.memory_space<vmem>>, %arg9: memref<256x128xf32, #tpu.memory_space<vmem>>) attributes {dimension_semantics = [#tpu.dimension_semantics<arbitrary>, #tpu.dimension_semantics<arbitrary>], iteration_bounds = array<i64: 2, 16>, scalar_prefetch = 0 : i64, scratch_operands = 0 : i64, tpu.core_type = #tpu.core_type<tc>, window_params = [{transform_indices = @transform_0, window_bounds = array<i64: 1, 256, 8>}, {transform_indices = @transform_1, window_bounds = array<i64: 1, 8, 4096>}, {transform_indices = @transform_2, window_bounds = array<i64: 1, 256, 32>}, {pipeline_mode = #tpu.pipeline_mode<synchronous>, transform_indices = @transform_3, window_bounds = array<i64: 32, 64>}, {pipeline_mode = #tpu.pipeline_mode<synchronous>, transform_indices = @transform_4, window_bounds = array<i64: 32, 64>}, {pipeline_mode = #tpu.pipeline_mode<synchronous>, transform_indices = @transform_5, window_bounds = array<i64: 1, 64>}, {transform_indices = @transform_6, window_bounds = array<i64: 256, 16>}, {transform_indices = @transform_7, window_bounds = array<i64: 256, 128>}]} {
    %get3A = arith.constant 0 : index
    %get3A_0 = arith.constant 0 : index
    %get3A_1 = arith.constant 0 : index
    %get3A_2 = vector.load %arg2[%get3A, %get3A_0, %get3A_1] : memref<1x256x8xf32, #tpu.memory_space<vmem>>, vector<1x256x8xf32>
    %get3A_3 = vector.shape_cast %get3A_2 : vector<1x256x8xf32> to vector<256x8xf32>
    %get3A_4 = arith.constant 0 : index
    %get3A_5 = arith.constant 0 : index
    %get3A_6 = arith.constant 0 : index
    %get3A_7 = vector.load %arg3[%get3A_4, %get3A_5, %get3A_6] : memref<1x8x4096xf32, #tpu.memory_space<vmem>>, vector<1x8x4096xf32>
    %get3A_8 = vector.shape_cast %get3A_7 : vector<1x8x4096xf32> to vector<8x4096xf32>
    %dot_general3A = arith.constant dense<0.000000e+00> : vector<256x4096xf32>
    %dot_general3A_9 = tpu.matmul %get3A_3, %get3A_8, %dot_general3A {dimension_numbers = #tpu.dot_dimension_numbers<[1], [0], [0], [1], [0, 0, 1, 1], [], []>, transpose_lhs_hint = false} : vector<256x8xf32>, vector<8x4096xf32>, vector<256x4096xf32> -> vector<256x4096xf32>
    %mul3A = arith.mulf %get3A_3, %get3A_3 : vector<256x8xf32>
    %reduce_sum3A = arith.constant dense<0.000000e+00> : vector<256xf32>
    %reduce_sum3A_10 = vector.multi_reduction <add>, %mul3A, %reduce_sum3A [1] : vector<256x8xf32> to vector<256xf32>
    %broadcast_in_dim3A = vector.shape_cast %reduce_sum3A_10 : vector<256xf32> to vector<256x1xf32>
    %mul3A_11 = arith.mulf %get3A_8, %get3A_8 : vector<8x4096xf32>
    %reduce_sum3A_12 = arith.constant dense<0.000000e+00> : vector<4096xf32>
    %reduce_sum3A_13 = vector.multi_reduction <add>, %mul3A_11, %reduce_sum3A_12 [0] : vector<8x4096xf32> to vector<4096xf32>
    %broadcast_in_dim3A_14 = vector.shape_cast %reduce_sum3A_13 : vector<4096xf32> to vector<1x4096xf32>
    %mul3A_15 = arith.constant 2.000000e+00 : f32
    %mul3A_16 = vector.broadcast %mul3A_15 : f32 to vector<256x4096xf32>
    %mul3A_17 = arith.mulf %mul3A_16, %dot_general3A_9 : vector<256x4096xf32>
    %sub3A = vector.broadcast %broadcast_in_dim3A : vector<256x1xf32> to vector<256x4096xf32>
    %sub3A_18 = arith.subf %sub3A, %mul3A_17 : vector<256x4096xf32>
    %add3A = vector.broadcast %broadcast_in_dim3A_14 : vector<1x4096xf32> to vector<256x4096xf32>
    %add3A_19 = arith.addf %sub3A_18, %add3A : vector<256x4096xf32>
    %add3A_20 = arith.constant 9.99999974E-6 : f32
    %add3A_21 = vector.broadcast %add3A_20 : f32 to vector<256x4096xf32>
    %add3A_22 = arith.addf %add3A_19, %add3A_21 : vector<256x4096xf32>
    %iota3A = tpu.iota {dimensions = array<i32: 1>} : vector<256x4096xi32>
    %convert_element_type3A = arith.sitofp %iota3A : vector<256x4096xi32> to vector<256x4096xf32>
    %iota3A_23 = tpu.iota {dimensions = array<i32: 1>} : vector<256x16xi32>
    %broadcast_in_dim3A_24 = arith.constant 0.000000e+00 : f32
    %broadcast_in_dim3A_25 = vector.broadcast %broadcast_in_dim3A_24 : f32 to vector<256x16xf32>
    %reduce_min3A = arith.constant dense<0x7F800000> : vector<256xf32>
    %reduce_min3A_26 = vector.multi_reduction <minimumf>, %add3A_22, %reduce_min3A [1] : vector<256x4096xf32> to vector<256xf32>
    %broadcast_in_dim3A_27 = vector.shape_cast %reduce_min3A_26 : vector<256xf32> to vector<256x1xf32>
    %eq3A = vector.broadcast %broadcast_in_dim3A_27 : vector<256x1xf32> to vector<256x4096xf32>
    %eq3A_28 = arith.cmpf oeq, %add3A_22, %eq3A : vector<256x4096xf32>
    %jit3A = arith.constant 1.000000e+30 : f32
    %broadcast_in_dim3A_29 = vector.broadcast %jit3A : f32 to vector<256x4096xf32>
    %select_n3A = arith.select %eq3A_28, %convert_element_type3A, %broadcast_in_dim3A_29 : vector<256x4096xi1>, vector<256x4096xf32>
    %reduce_min3A_30 = arith.constant dense<0x7F800000> : vector<256xf32>
    %reduce_min3A_31 = vector.multi_reduction <minimumf>, %select_n3A, %reduce_min3A_30 [1] : vector<256x4096xf32> to vector<256xf32>
    %broadcast_in_dim3A_32 = vector.shape_cast %reduce_min3A_31 : vector<256xf32> to vector<256x1xf32>
    %eq3A_33 = vector.broadcast %broadcast_in_dim3A_32 : vector<256x1xf32> to vector<256x4096xf32>
    %eq3A_34 = arith.cmpf oeq, %select_n3A, %eq3A_33 : vector<256x4096xf32>
    %jit3A_35 = arith.constant 0x7F800000 : f32
    %broadcast_in_dim3A_36 = vector.broadcast %jit3A_35 : f32 to vector<256x4096xf32>
    %select_n3A_37 = arith.select %eq3A_34, %broadcast_in_dim3A_36, %add3A_22 : vector<256x4096xi1>, vector<256x4096xf32>
    %reduce_min3A_38 = arith.constant dense<0x7F800000> : vector<256xf32>
    %reduce_min3A_39 = vector.multi_reduction <minimumf>, %select_n3A_37, %reduce_min3A_38 [1] : vector<256x4096xf32> to vector<256xf32>
    %broadcast_in_dim3A_40 = vector.shape_cast %reduce_min3A_39 : vector<256xf32> to vector<256x1xf32>
    %eq3A_41 = vector.broadcast %broadcast_in_dim3A_40 : vector<256x1xf32> to vector<256x4096xf32>
    %eq3A_42 = arith.cmpf oeq, %select_n3A_37, %eq3A_41 : vector<256x4096xf32>
    %jit3A_43 = arith.constant 1.000000e+30 : f32
    %broadcast_in_dim3A_44 = vector.broadcast %jit3A_43 : f32 to vector<256x4096xf32>
    %select_n3A_45 = arith.select %eq3A_42, %convert_element_type3A, %broadcast_in_dim3A_44 : vector<256x4096xi1>, vector<256x4096xf32>
    %reduce_min3A_46 = arith.constant dense<0x7F800000> : vector<256xf32>
    %reduce_min3A_47 = vector.multi_reduction <minimumf>, %select_n3A_45, %reduce_min3A_46 [1] : vector<256x4096xf32> to vector<256xf32>
    %broadcast_in_dim3A_48 = vector.shape_cast %reduce_min3A_47 : vector<256xf32> to vector<256x1xf32>
    %eq3A_49 = vector.broadcast %broadcast_in_dim3A_48 : vector<256x1xf32> to vector<256x4096xf32>
    %eq3A_50 = arith.cmpf oeq, %select_n3A_45, %eq3A_49 : vector<256x4096xf32>
    %jit3A_51 = arith.constant 0x7F800000 : f32
    %broadcast_in_dim3A_52 = vector.broadcast %jit3A_51 : f32 to vector<256x4096xf32>
    %select_n3A_53 = arith.select %eq3A_50, %broadcast_in_dim3A_52, %select_n3A_37 : vector<256x4096xi1>, vector<256x4096xf32>
    %eq3A_54 = arith.constant 0 : i32
    %eq3A_55 = vector.broadcast %eq3A_54 : i32 to vector<256x16xi32>
    %eq3A_56 = arith.cmpi eq, %iota3A_23, %eq3A_55 : vector<256x16xi32>
    %broadcast_in_dim3A_57 = vector.shape_cast %broadcast_in_dim3A_48 : vector<256x1xf32> to vector<256x1xf32>
    %broadcast_in_dim3A_58 = vector.broadcast %broadcast_in_dim3A_57 : vector<256x1xf32> to vector<256x16xf32>
    %select_n3A_59 = arith.select %eq3A_56, %broadcast_in_dim3A_58, %broadcast_in_dim3A_25 : vector<256x16xi1>, vector<256x16xf32>
    %reduce_min3A_60 = arith.constant dense<0x7F800000> : vector<256xf32>
    %reduce_min3A_61 = vector.multi_reduction <minimumf>, %select_n3A_53, %reduce_min3A_60 [1] : vector<256x4096xf32> to vector<256xf32>
    %broadcast_in_dim3A_62 = vector.shape_cast %reduce_min3A_61 : vector<256xf32> to vector<256x1xf32>
    %eq3A_63 = vector.broadcast %broadcast_in_dim3A_62 : vector<256x1xf32> to vector<256x4096xf32>
    %eq3A_64 = arith.cmpf oeq, %select_n3A_53, %eq3A_63 : vector<256x4096xf32>
    %jit3A_65 = arith.constant 1.000000e+30 : f32
    %broadcast_in_dim3A_66 = vector.broadcast %jit3A_65 : f32 to vector<256x4096xf32>
    %select_n3A_67 = arith.select %eq3A_64, %convert_element_type3A, %broadcast_in_dim3A_66 : vector<256x4096xi1>, vector<256x4096xf32>
    %reduce_min3A_68 = arith.constant dense<0x7F800000> : vector<256xf32>
    %reduce_min3A_69 = vector.multi_reduction <minimumf>, %select_n3A_67, %reduce_min3A_68 [1] : vector<256x4096xf32> to vector<256xf32>
    %broadcast_in_dim3A_70 = vector.shape_cast %reduce_min3A_69 : vector<256xf32> to vector<256x1xf32>
    %eq3A_71 = vector.broadcast %broadcast_in_dim3A_70 : vector<256x1xf32> to vector<256x4096xf32>
    %eq3A_72 = arith.cmpf oeq, %select_n3A_67, %eq3A_71 : vector<256x4096xf32>
    %jit3A_73 = arith.constant 0x7F800000 : f32
    %broadcast_in_dim3A_74 = vector.broadcast %jit3A_73 : f32 to vector<256x4096xf32>
    %select_n3A_75 = arith.select %eq3A_72, %broadcast_in_dim3A_74, %select_n3A_53 : vector<256x4096xi1>, vector<256x4096xf32>
    %eq3A_76 = arith.constant 1 : i32
    %eq3A_77 = vector.broadcast %eq3A_76 : i32 to vector<256x16xi32>
    %eq3A_78 = arith.cmpi eq, %iota3A_23, %eq3A_77 : vector<256x16xi32>
    %broadcast_in_dim3A_79 = vector.shape_cast %broadcast_in_dim3A_70 : vector<256x1xf32> to vector<256x1xf32>
    %broadcast_in_dim3A_80 = vector.broadcast %broadcast_in_dim3A_79 : vector<256x1xf32> to vector<256x16xf32>
    %select_n3A_81 = arith.select %eq3A_78, %broadcast_in_dim3A_80, %select_n3A_59 : vector<256x16xi1>, vector<256x16xf32>
    %reduce_min3A_82 = arith.constant dense<0x7F800000> : vector<256xf32>
    %reduce_min3A_83 = vector.multi_reduction <minimumf>, %select_n3A_75, %reduce_min3A_82 [1] : vector<256x4096xf32> to vector<256xf32>
    %broadcast_in_dim3A_84 = vector.shape_cast %reduce_min3A_83 : vector<256xf32> to vector<256x1xf32>
    %eq3A_85 = vector.broadcast %broadcast_in_dim3A_84 : vector<256x1xf32> to vector<256x4096xf32>
    %eq3A_86 = arith.cmpf oeq, %select_n3A_75, %eq3A_85 : vector<256x4096xf32>
    %jit3A_87 = arith.constant 1.000000e+30 : f32
    %broadcast_in_dim3A_88 = vector.broadcast %jit3A_87 : f32 to vector<256x4096xf32>
    %select_n3A_89 = arith.select %eq3A_86, %convert_element_type3A, %broadcast_in_dim3A_88 : vector<256x4096xi1>, vector<256x4096xf32>
    %reduce_min3A_90 = arith.constant dense<0x7F800000> : vector<256xf32>
    %reduce_min3A_91 = vector.multi_reduction <minimumf>, %select_n3A_89, %reduce_min3A_90 [1] : vector<256x4096xf32> to vector<256xf32>
    %broadcast_in_dim3A_92 = vector.shape_cast %reduce_min3A_91 : vector<256xf32> to vector<256x1xf32>
    %eq3A_93 = vector.broadcast %broadcast_in_dim3A_92 : vector<256x1xf32> to vector<256x4096xf32>
    %eq3A_94 = arith.cmpf oeq, %select_n3A_89, %eq3A_93 : vector<256x4096xf32>
    %jit3A_95 = arith.constant 0x7F800000 : f32
    %broadcast_in_dim3A_96 = vector.broadcast %jit3A_95 : f32 to vector<256x4096xf32>
    %select_n3A_97 = arith.select %eq3A_94, %broadcast_in_dim3A_96, %select_n3A_75 : vector<256x4096xi1>, vector<256x4096xf32>
    %eq3A_98 = arith.constant 2 : i32
    %eq3A_99 = vector.broadcast %eq3A_98 : i32 to vector<256x16xi32>
    %eq3A_100 = arith.cmpi eq, %iota3A_23, %eq3A_99 : vector<256x16xi32>
    %broadcast_in_dim3A_101 = vector.shape_cast %broadcast_in_dim3A_92 : vector<256x1xf32> to vector<256x1xf32>
    %broadcast_in_dim3A_102 = vector.broadcast %broadcast_in_dim3A_101 : vector<256x1xf32> to vector<256x16xf32>
    %select_n3A_103 = arith.select %eq3A_100, %broadcast_in_dim3A_102, %select_n3A_81 : vector<256x16xi1>, vector<256x16xf32>
    %reduce_min3A_104 = arith.constant dense<0x7F800000> : vector<256xf32>
    %reduce_min3A_105 = vector.multi_reduction <minimumf>, %select_n3A_97, %reduce_min3A_104 [1] : vector<256x4096xf32> to vector<256xf32>
    %broadcast_in_dim3A_106 = vector.shape_cast %reduce_min3A_105 : vector<256xf32> to vector<256x1xf32>
    %eq3A_107 = vector.broadcast %broadcast_in_dim3A_106 : vector<256x1xf32> to vector<256x4096xf32>
    %eq3A_108 = arith.cmpf oeq, %select_n3A_97, %eq3A_107 : vector<256x4096xf32>
    %jit3A_109 = arith.constant 1.000000e+30 : f32
    %broadcast_in_dim3A_110 = vector.broadcast %jit3A_109 : f32 to vector<256x4096xf32>
    %select_n3A_111 = arith.select %eq3A_108, %convert_element_type3A, %broadcast_in_dim3A_110 : vector<256x4096xi1>, vector<256x4096xf32>
    %reduce_min3A_112 = arith.constant dense<0x7F800000> : vector<256xf32>
    %reduce_min3A_113 = vector.multi_reduction <minimumf>, %select_n3A_111, %reduce_min3A_112 [1] : vector<256x4096xf32> to vector<256xf32>
    %broadcast_in_dim3A_114 = vector.shape_cast %reduce_min3A_113 : vector<256xf32> to vector<256x1xf32>
    %eq3A_115 = vector.broadcast %broadcast_in_dim3A_114 : vector<256x1xf32> to vector<256x4096xf32>
    %eq3A_116 = arith.cmpf oeq, %select_n3A_111, %eq3A_115 : vector<256x4096xf32>
    %jit3A_117 = arith.constant 0x7F800000 : f32
    %broadcast_in_dim3A_118 = vector.broadcast %jit3A_117 : f32 to vector<256x4096xf32>
    %select_n3A_119 = arith.select %eq3A_116, %broadcast_in_dim3A_118, %select_n3A_97 : vector<256x4096xi1>, vector<256x4096xf32>
    %eq3A_120 = arith.constant 3 : i32
    %eq3A_121 = vector.broadcast %eq3A_120 : i32 to vector<256x16xi32>
    %eq3A_122 = arith.cmpi eq, %iota3A_23, %eq3A_121 : vector<256x16xi32>
    %broadcast_in_dim3A_123 = vector.shape_cast %broadcast_in_dim3A_114 : vector<256x1xf32> to vector<256x1xf32>
    %broadcast_in_dim3A_124 = vector.broadcast %broadcast_in_dim3A_123 : vector<256x1xf32> to vector<256x16xf32>
    %select_n3A_125 = arith.select %eq3A_122, %broadcast_in_dim3A_124, %select_n3A_103 : vector<256x16xi1>, vector<256x16xf32>
    %reduce_min3A_126 = arith.constant dense<0x7F800000> : vector<256xf32>
    %reduce_min3A_127 = vector.multi_reduction <minimumf>, %select_n3A_119, %reduce_min3A_126 [1] : vector<256x4096xf32> to vector<256xf32>
    %broadcast_in_dim3A_128 = vector.shape_cast %reduce_min3A_127 : vector<256xf32> to vector<256x1xf32>
    %eq3A_129 = vector.broadcast %broadcast_in_dim3A_128 : vector<256x1xf32> to vector<256x4096xf32>
    %eq3A_130 = arith.cmpf oeq, %select_n3A_119, %eq3A_129 : vector<256x4096xf32>
    %jit3A_131 = arith.constant 1.000000e+30 : f32
    %broadcast_in_dim3A_132 = vector.broadcast %jit3A_131 : f32 to vector<256x4096xf32>
    %select_n3A_133 = arith.select %eq3A_130, %convert_element_type3A, %broadcast_in_dim3A_132 : vector<256x4096xi1>, vector<256x4096xf32>
    %reduce_min3A_134 = arith.constant dense<0x7F800000> : vector<256xf32>
    %reduce_min3A_135 = vector.multi_reduction <minimumf>, %select_n3A_133, %reduce_min3A_134 [1] : vector<256x4096xf32> to vector<256xf32>
    %broadcast_in_dim3A_136 = vector.shape_cast %reduce_min3A_135 : vector<256xf32> to vector<256x1xf32>
    %eq3A_137 = vector.broadcast %broadcast_in_dim3A_136 : vector<256x1xf32> to vector<256x4096xf32>
    %eq3A_138 = arith.cmpf oeq, %select_n3A_133, %eq3A_137 : vector<256x4096xf32>
    %jit3A_139 = arith.constant 0x7F800000 : f32
    %broadcast_in_dim3A_140 = vector.broadcast %jit3A_139 : f32 to vector<256x4096xf32>
    %select_n3A_141 = arith.select %eq3A_138, %broadcast_in_dim3A_140, %select_n3A_119 : vector<256x4096xi1>, vector<256x4096xf32>
    %eq3A_142 = arith.constant 4 : i32
    %eq3A_143 = vector.broadcast %eq3A_142 : i32 to vector<256x16xi32>
    %eq3A_144 = arith.cmpi eq, %iota3A_23, %eq3A_143 : vector<256x16xi32>
    %broadcast_in_dim3A_145 = vector.shape_cast %broadcast_in_dim3A_136 : vector<256x1xf32> to vector<256x1xf32>
    %broadcast_in_dim3A_146 = vector.broadcast %broadcast_in_dim3A_145 : vector<256x1xf32> to vector<256x16xf32>
    %select_n3A_147 = arith.select %eq3A_144, %broadcast_in_dim3A_146, %select_n3A_125 : vector<256x16xi1>, vector<256x16xf32>
    %reduce_min3A_148 = arith.constant dense<0x7F800000> : vector<256xf32>
    %reduce_min3A_149 = vector.multi_reduction <minimumf>, %select_n3A_141, %reduce_min3A_148 [1] : vector<256x4096xf32> to vector<256xf32>
    %broadcast_in_dim3A_150 = vector.shape_cast %reduce_min3A_149 : vector<256xf32> to vector<256x1xf32>
    %eq3A_151 = vector.broadcast %broadcast_in_dim3A_150 : vector<256x1xf32> to vector<256x4096xf32>
    %eq3A_152 = arith.cmpf oeq, %select_n3A_141, %eq3A_151 : vector<256x4096xf32>
    %jit3A_153 = arith.constant 1.000000e+30 : f32
    %broadcast_in_dim3A_154 = vector.broadcast %jit3A_153 : f32 to vector<256x4096xf32>
    %select_n3A_155 = arith.select %eq3A_152, %convert_element_type3A, %broadcast_in_dim3A_154 : vector<256x4096xi1>, vector<256x4096xf32>
    %reduce_min3A_156 = arith.constant dense<0x7F800000> : vector<256xf32>
    %reduce_min3A_157 = vector.multi_reduction <minimumf>, %select_n3A_155, %reduce_min3A_156 [1] : vector<256x4096xf32> to vector<256xf32>
    %broadcast_in_dim3A_158 = vector.shape_cast %reduce_min3A_157 : vector<256xf32> to vector<256x1xf32>
    %eq3A_159 = vector.broadcast %broadcast_in_dim3A_158 : vector<256x1xf32> to vector<256x4096xf32>
    %eq3A_160 = arith.cmpf oeq, %select_n3A_155, %eq3A_159 : vector<256x4096xf32>
    %jit3A_161 = arith.constant 0x7F800000 : f32
    %broadcast_in_dim3A_162 = vector.broadcast %jit3A_161 : f32 to vector<256x4096xf32>
    %select_n3A_163 = arith.select %eq3A_160, %broadcast_in_dim3A_162, %select_n3A_141 : vector<256x4096xi1>, vector<256x4096xf32>
    %eq3A_164 = arith.constant 5 : i32
    %eq3A_165 = vector.broadcast %eq3A_164 : i32 to vector<256x16xi32>
    %eq3A_166 = arith.cmpi eq, %iota3A_23, %eq3A_165 : vector<256x16xi32>
    %broadcast_in_dim3A_167 = vector.shape_cast %broadcast_in_dim3A_158 : vector<256x1xf32> to vector<256x1xf32>
    %broadcast_in_dim3A_168 = vector.broadcast %broadcast_in_dim3A_167 : vector<256x1xf32> to vector<256x16xf32>
    %select_n3A_169 = arith.select %eq3A_166, %broadcast_in_dim3A_168, %select_n3A_147 : vector<256x16xi1>, vector<256x16xf32>
    %reduce_min3A_170 = arith.constant dense<0x7F800000> : vector<256xf32>
    %reduce_min3A_171 = vector.multi_reduction <minimumf>, %select_n3A_163, %reduce_min3A_170 [1] : vector<256x4096xf32> to vector<256xf32>
    %broadcast_in_dim3A_172 = vector.shape_cast %reduce_min3A_171 : vector<256xf32> to vector<256x1xf32>
    %eq3A_173 = vector.broadcast %broadcast_in_dim3A_172 : vector<256x1xf32> to vector<256x4096xf32>
    %eq3A_174 = arith.cmpf oeq, %select_n3A_163, %eq3A_173 : vector<256x4096xf32>
    %jit3A_175 = arith.constant 1.000000e+30 : f32
    %broadcast_in_dim3A_176 = vector.broadcast %jit3A_175 : f32 to vector<256x4096xf32>
    %select_n3A_177 = arith.select %eq3A_174, %convert_element_type3A, %broadcast_in_dim3A_176 : vector<256x4096xi1>, vector<256x4096xf32>
    %reduce_min3A_178 = arith.constant dense<0x7F800000> : vector<256xf32>
    %reduce_min3A_179 = vector.multi_reduction <minimumf>, %select_n3A_177, %reduce_min3A_178 [1] : vector<256x4096xf32> to vector<256xf32>
    %broadcast_in_dim3A_180 = vector.shape_cast %reduce_min3A_179 : vector<256xf32> to vector<256x1xf32>
    %eq3A_181 = vector.broadcast %broadcast_in_dim3A_180 : vector<256x1xf32> to vector<256x4096xf32>
    %eq3A_182 = arith.cmpf oeq, %select_n3A_177, %eq3A_181 : vector<256x4096xf32>
    %jit3A_183 = arith.constant 0x7F800000 : f32
    %broadcast_in_dim3A_184 = vector.broadcast %jit3A_183 : f32 to vector<256x4096xf32>
    %select_n3A_185 = arith.select %eq3A_182, %broadcast_in_dim3A_184, %select_n3A_163 : vector<256x4096xi1>, vector<256x4096xf32>
    %eq3A_186 = arith.constant 6 : i32
    %eq3A_187 = vector.broadcast %eq3A_186 : i32 to vector<256x16xi32>
    %eq3A_188 = arith.cmpi eq, %iota3A_23, %eq3A_187 : vector<256x16xi32>
    %broadcast_in_dim3A_189 = vector.shape_cast %broadcast_in_dim3A_180 : vector<256x1xf32> to vector<256x1xf32>
    %broadcast_in_dim3A_190 = vector.broadcast %broadcast_in_dim3A_189 : vector<256x1xf32> to vector<256x16xf32>
    %select_n3A_191 = arith.select %eq3A_188, %broadcast_in_dim3A_190, %select_n3A_169 : vector<256x16xi1>, vector<256x16xf32>
    %reduce_min3A_192 = arith.constant dense<0x7F800000> : vector<256xf32>
    %reduce_min3A_193 = vector.multi_reduction <minimumf>, %select_n3A_185, %reduce_min3A_192 [1] : vector<256x4096xf32> to vector<256xf32>
    %broadcast_in_dim3A_194 = vector.shape_cast %reduce_min3A_193 : vector<256xf32> to vector<256x1xf32>
    %eq3A_195 = vector.broadcast %broadcast_in_dim3A_194 : vector<256x1xf32> to vector<256x4096xf32>
    %eq3A_196 = arith.cmpf oeq, %select_n3A_185, %eq3A_195 : vector<256x4096xf32>
    %jit3A_197 = arith.constant 1.000000e+30 : f32
    %broadcast_in_dim3A_198 = vector.broadcast %jit3A_197 : f32 to vector<256x4096xf32>
    %select_n3A_199 = arith.select %eq3A_196, %convert_element_type3A, %broadcast_in_dim3A_198 : vector<256x4096xi1>, vector<256x4096xf32>
    %reduce_min3A_200 = arith.constant dense<0x7F800000> : vector<256xf32>
    %reduce_min3A_201 = vector.multi_reduction <minimumf>, %select_n3A_199, %reduce_min3A_200 [1] : vector<256x4096xf32> to vector<256xf32>
    %broadcast_in_dim3A_202 = vector.shape_cast %reduce_min3A_201 : vector<256xf32> to vector<256x1xf32>
    %eq3A_203 = vector.broadcast %broadcast_in_dim3A_202 : vector<256x1xf32> to vector<256x4096xf32>
    %eq3A_204 = arith.cmpf oeq, %select_n3A_199, %eq3A_203 : vector<256x4096xf32>
    %jit3A_205 = arith.constant 0x7F800000 : f32
    %broadcast_in_dim3A_206 = vector.broadcast %jit3A_205 : f32 to vector<256x4096xf32>
    %select_n3A_207 = arith.select %eq3A_204, %broadcast_in_dim3A_206, %select_n3A_185 : vector<256x4096xi1>, vector<256x4096xf32>
    %eq3A_208 = arith.constant 7 : i32
    %eq3A_209 = vector.broadcast %eq3A_208 : i32 to vector<256x16xi32>
    %eq3A_210 = arith.cmpi eq, %iota3A_23, %eq3A_209 : vector<256x16xi32>
    %broadcast_in_dim3A_211 = vector.shape_cast %broadcast_in_dim3A_202 : vector<256x1xf32> to vector<256x1xf32>
    %broadcast_in_dim3A_212 = vector.broadcast %broadcast_in_dim3A_211 : vector<256x1xf32> to vector<256x16xf32>
    %select_n3A_213 = arith.select %eq3A_210, %broadcast_in_dim3A_212, %select_n3A_191 : vector<256x16xi1>, vector<256x16xf32>
    %reduce_min3A_214 = arith.constant dense<0x7F800000> : vector<256xf32>
    %reduce_min3A_215 = vector.multi_reduction <minimumf>, %select_n3A_207, %reduce_min3A_214 [1] : vector<256x4096xf32> to vector<256xf32>
    %broadcast_in_dim3A_216 = vector.shape_cast %reduce_min3A_215 : vector<256xf32> to vector<256x1xf32>
    %eq3A_217 = vector.broadcast %broadcast_in_dim3A_216 : vector<256x1xf32> to vector<256x4096xf32>
    %eq3A_218 = arith.cmpf oeq, %select_n3A_207, %eq3A_217 : vector<256x4096xf32>
    %jit3A_219 = arith.constant 1.000000e+30 : f32
    %broadcast_in_dim3A_220 = vector.broadcast %jit3A_219 : f32 to vector<256x4096xf32>
    %select_n3A_221 = arith.select %eq3A_218, %convert_element_type3A, %broadcast_in_dim3A_220 : vector<256x4096xi1>, vector<256x4096xf32>
    %reduce_min3A_222 = arith.constant dense<0x7F800000> : vector<256xf32>
    %reduce_min3A_223 = vector.multi_reduction <minimumf>, %select_n3A_221, %reduce_min3A_222 [1] : vector<256x4096xf32> to vector<256xf32>
    %broadcast_in_dim3A_224 = vector.shape_cast %reduce_min3A_223 : vector<256xf32> to vector<256x1xf32>
    %eq3A_225 = vector.broadcast %broadcast_in_dim3A_224 : vector<256x1xf32> to vector<256x4096xf32>
    %eq3A_226 = arith.cmpf oeq, %select_n3A_221, %eq3A_225 : vector<256x4096xf32>
    %jit3A_227 = arith.constant 0x7F800000 : f32
    %broadcast_in_dim3A_228 = vector.broadcast %jit3A_227 : f32 to vector<256x4096xf32>
    %select_n3A_229 = arith.select %eq3A_226, %broadcast_in_dim3A_228, %select_n3A_207 : vector<256x4096xi1>, vector<256x4096xf32>
    %eq3A_230 = arith.constant 8 : i32
    %eq3A_231 = vector.broadcast %eq3A_230 : i32 to vector<256x16xi32>
    %eq3A_232 = arith.cmpi eq, %iota3A_23, %eq3A_231 : vector<256x16xi32>
    %broadcast_in_dim3A_233 = vector.shape_cast %broadcast_in_dim3A_224 : vector<256x1xf32> to vector<256x1xf32>
    %broadcast_in_dim3A_234 = vector.broadcast %broadcast_in_dim3A_233 : vector<256x1xf32> to vector<256x16xf32>
    %select_n3A_235 = arith.select %eq3A_232, %broadcast_in_dim3A_234, %select_n3A_213 : vector<256x16xi1>, vector<256x16xf32>
    %reduce_min3A_236 = arith.constant dense<0x7F800000> : vector<256xf32>
    %reduce_min3A_237 = vector.multi_reduction <minimumf>, %select_n3A_229, %reduce_min3A_236 [1] : vector<256x4096xf32> to vector<256xf32>
    %broadcast_in_dim3A_238 = vector.shape_cast %reduce_min3A_237 : vector<256xf32> to vector<256x1xf32>
    %eq3A_239 = vector.broadcast %broadcast_in_dim3A_238 : vector<256x1xf32> to vector<256x4096xf32>
    %eq3A_240 = arith.cmpf oeq, %select_n3A_229, %eq3A_239 : vector<256x4096xf32>
    %jit3A_241 = arith.constant 1.000000e+30 : f32
    %broadcast_in_dim3A_242 = vector.broadcast %jit3A_241 : f32 to vector<256x4096xf32>
    %select_n3A_243 = arith.select %eq3A_240, %convert_element_type3A, %broadcast_in_dim3A_242 : vector<256x4096xi1>, vector<256x4096xf32>
    %reduce_min3A_244 = arith.constant dense<0x7F800000> : vector<256xf32>
    %reduce_min3A_245 = vector.multi_reduction <minimumf>, %select_n3A_243, %reduce_min3A_244 [1] : vector<256x4096xf32> to vector<256xf32>
    %broadcast_in_dim3A_246 = vector.shape_cast %reduce_min3A_245 : vector<256xf32> to vector<256x1xf32>
    %eq3A_247 = vector.broadcast %broadcast_in_dim3A_246 : vector<256x1xf32> to vector<256x4096xf32>
    %eq3A_248 = arith.cmpf oeq, %select_n3A_243, %eq3A_247 : vector<256x4096xf32>
    %jit3A_249 = arith.constant 0x7F800000 : f32
    %broadcast_in_dim3A_250 = vector.broadcast %jit3A_249 : f32 to vector<256x4096xf32>
    %select_n3A_251 = arith.select %eq3A_248, %broadcast_in_dim3A_250, %select_n3A_229 : vector<256x4096xi1>, vector<256x4096xf32>
    %eq3A_252 = arith.constant 9 : i32
    %eq3A_253 = vector.broadcast %eq3A_252 : i32 to vector<256x16xi32>
    %eq3A_254 = arith.cmpi eq, %iota3A_23, %eq3A_253 : vector<256x16xi32>
    %broadcast_in_dim3A_255 = vector.shape_cast %broadcast_in_dim3A_246 : vector<256x1xf32> to vector<256x1xf32>
    %broadcast_in_dim3A_256 = vector.broadcast %broadcast_in_dim3A_255 : vector<256x1xf32> to vector<256x16xf32>
    %select_n3A_257 = arith.select %eq3A_254, %broadcast_in_dim3A_256, %select_n3A_235 : vector<256x16xi1>, vector<256x16xf32>
    %reduce_min3A_258 = arith.constant dense<0x7F800000> : vector<256xf32>
    %reduce_min3A_259 = vector.multi_reduction <minimumf>, %select_n3A_251, %reduce_min3A_258 [1] : vector<256x4096xf32> to vector<256xf32>
    %broadcast_in_dim3A_260 = vector.shape_cast %reduce_min3A_259 : vector<256xf32> to vector<256x1xf32>
    %eq3A_261 = vector.broadcast %broadcast_in_dim3A_260 : vector<256x1xf32> to vector<256x4096xf32>
    %eq3A_262 = arith.cmpf oeq, %select_n3A_251, %eq3A_261 : vector<256x4096xf32>
    %jit3A_263 = arith.constant 1.000000e+30 : f32
    %broadcast_in_dim3A_264 = vector.broadcast %jit3A_263 : f32 to vector<256x4096xf32>
    %select_n3A_265 = arith.select %eq3A_262, %convert_element_type3A, %broadcast_in_dim3A_264 : vector<256x4096xi1>, vector<256x4096xf32>
    %reduce_min3A_266 = arith.constant dense<0x7F800000> : vector<256xf32>
    %reduce_min3A_267 = vector.multi_reduction <minimumf>, %select_n3A_265, %reduce_min3A_266 [1] : vector<256x4096xf32> to vector<256xf32>
    %broadcast_in_dim3A_268 = vector.shape_cast %reduce_min3A_267 : vector<256xf32> to vector<256x1xf32>
    %eq3A_269 = vector.broadcast %broadcast_in_dim3A_268 : vector<256x1xf32> to vector<256x4096xf32>
    %eq3A_270 = arith.cmpf oeq, %select_n3A_265, %eq3A_269 : vector<256x4096xf32>
    %jit3A_271 = arith.constant 0x7F800000 : f32
    %broadcast_in_dim3A_272 = vector.broadcast %jit3A_271 : f32 to vector<256x4096xf32>
    %select_n3A_273 = arith.select %eq3A_270, %broadcast_in_dim3A_272, %select_n3A_251 : vector<256x4096xi1>, vector<256x4096xf32>
    %eq3A_274 = arith.constant 10 : i32
    %eq3A_275 = vector.broadcast %eq3A_274 : i32 to vector<256x16xi32>
    %eq3A_276 = arith.cmpi eq, %iota3A_23, %eq3A_275 : vector<256x16xi32>
    %broadcast_in_dim3A_277 = vector.shape_cast %broadcast_in_dim3A_268 : vector<256x1xf32> to vector<256x1xf32>
    %broadcast_in_dim3A_278 = vector.broadcast %broadcast_in_dim3A_277 : vector<256x1xf32> to vector<256x16xf32>
    %select_n3A_279 = arith.select %eq3A_276, %broadcast_in_dim3A_278, %select_n3A_257 : vector<256x16xi1>, vector<256x16xf32>
    %reduce_min3A_280 = arith.constant dense<0x7F800000> : vector<256xf32>
    %reduce_min3A_281 = vector.multi_reduction <minimumf>, %select_n3A_273, %reduce_min3A_280 [1] : vector<256x4096xf32> to vector<256xf32>
    %broadcast_in_dim3A_282 = vector.shape_cast %reduce_min3A_281 : vector<256xf32> to vector<256x1xf32>
    %eq3A_283 = vector.broadcast %broadcast_in_dim3A_282 : vector<256x1xf32> to vector<256x4096xf32>
    %eq3A_284 = arith.cmpf oeq, %select_n3A_273, %eq3A_283 : vector<256x4096xf32>
    %jit3A_285 = arith.constant 1.000000e+30 : f32
    %broadcast_in_dim3A_286 = vector.broadcast %jit3A_285 : f32 to vector<256x4096xf32>
    %select_n3A_287 = arith.select %eq3A_284, %convert_element_type3A, %broadcast_in_dim3A_286 : vector<256x4096xi1>, vector<256x4096xf32>
    %reduce_min3A_288 = arith.constant dense<0x7F800000> : vector<256xf32>
    %reduce_min3A_289 = vector.multi_reduction <minimumf>, %select_n3A_287, %reduce_min3A_288 [1] : vector<256x4096xf32> to vector<256xf32>
    %broadcast_in_dim3A_290 = vector.shape_cast %reduce_min3A_289 : vector<256xf32> to vector<256x1xf32>
    %eq3A_291 = vector.broadcast %broadcast_in_dim3A_290 : vector<256x1xf32> to vector<256x4096xf32>
    %eq3A_292 = arith.cmpf oeq, %select_n3A_287, %eq3A_291 : vector<256x4096xf32>
    %jit3A_293 = arith.constant 0x7F800000 : f32
    %broadcast_in_dim3A_294 = vector.broadcast %jit3A_293 : f32 to vector<256x4096xf32>
    %select_n3A_295 = arith.select %eq3A_292, %broadcast_in_dim3A_294, %select_n3A_273 : vector<256x4096xi1>, vector<256x4096xf32>
    %eq3A_296 = arith.constant 11 : i32
    %eq3A_297 = vector.broadcast %eq3A_296 : i32 to vector<256x16xi32>
    %eq3A_298 = arith.cmpi eq, %iota3A_23, %eq3A_297 : vector<256x16xi32>
    %broadcast_in_dim3A_299 = vector.shape_cast %broadcast_in_dim3A_290 : vector<256x1xf32> to vector<256x1xf32>
    %broadcast_in_dim3A_300 = vector.broadcast %broadcast_in_dim3A_299 : vector<256x1xf32> to vector<256x16xf32>
    %select_n3A_301 = arith.select %eq3A_298, %broadcast_in_dim3A_300, %select_n3A_279 : vector<256x16xi1>, vector<256x16xf32>
    %reduce_min3A_302 = arith.constant dense<0x7F800000> : vector<256xf32>
    %reduce_min3A_303 = vector.multi_reduction <minimumf>, %select_n3A_295, %reduce_min3A_302 [1] : vector<256x4096xf32> to vector<256xf32>
    %broadcast_in_dim3A_304 = vector.shape_cast %reduce_min3A_303 : vector<256xf32> to vector<256x1xf32>
    %eq3A_305 = vector.broadcast %broadcast_in_dim3A_304 : vector<256x1xf32> to vector<256x4096xf32>
    %eq3A_306 = arith.cmpf oeq, %select_n3A_295, %eq3A_305 : vector<256x4096xf32>
    %jit3A_307 = arith.constant 1.000000e+30 : f32
    %broadcast_in_dim3A_308 = vector.broadcast %jit3A_307 : f32 to vector<256x4096xf32>
    %select_n3A_309 = arith.select %eq3A_306, %convert_element_type3A, %broadcast_in_dim3A_308 : vector<256x4096xi1>, vector<256x4096xf32>
    %reduce_min3A_310 = arith.constant dense<0x7F800000> : vector<256xf32>
    %reduce_min3A_311 = vector.multi_reduction <minimumf>, %select_n3A_309, %reduce_min3A_310 [1] : vector<256x4096xf32> to vector<256xf32>
    %broadcast_in_dim3A_312 = vector.shape_cast %reduce_min3A_311 : vector<256xf32> to vector<256x1xf32>
    %eq3A_313 = vector.broadcast %broadcast_in_dim3A_312 : vector<256x1xf32> to vector<256x4096xf32>
    %eq3A_314 = arith.cmpf oeq, %select_n3A_309, %eq3A_313 : vector<256x4096xf32>
    %jit3A_315 = arith.constant 0x7F800000 : f32
    %broadcast_in_dim3A_316 = vector.broadcast %jit3A_315 : f32 to vector<256x4096xf32>
    %select_n3A_317 = arith.select %eq3A_314, %broadcast_in_dim3A_316, %select_n3A_295 : vector<256x4096xi1>, vector<256x4096xf32>
    %eq3A_318 = arith.constant 12 : i32
    %eq3A_319 = vector.broadcast %eq3A_318 : i32 to vector<256x16xi32>
    %eq3A_320 = arith.cmpi eq, %iota3A_23, %eq3A_319 : vector<256x16xi32>
    %broadcast_in_dim3A_321 = vector.shape_cast %broadcast_in_dim3A_312 : vector<256x1xf32> to vector<256x1xf32>
    %broadcast_in_dim3A_322 = vector.broadcast %broadcast_in_dim3A_321 : vector<256x1xf32> to vector<256x16xf32>
    %select_n3A_323 = arith.select %eq3A_320, %broadcast_in_dim3A_322, %select_n3A_301 : vector<256x16xi1>, vector<256x16xf32>
    %reduce_min3A_324 = arith.constant dense<0x7F800000> : vector<256xf32>
    %reduce_min3A_325 = vector.multi_reduction <minimumf>, %select_n3A_317, %reduce_min3A_324 [1] : vector<256x4096xf32> to vector<256xf32>
    %broadcast_in_dim3A_326 = vector.shape_cast %reduce_min3A_325 : vector<256xf32> to vector<256x1xf32>
    %eq3A_327 = vector.broadcast %broadcast_in_dim3A_326 : vector<256x1xf32> to vector<256x4096xf32>
    %eq3A_328 = arith.cmpf oeq, %select_n3A_317, %eq3A_327 : vector<256x4096xf32>
    %jit3A_329 = arith.constant 1.000000e+30 : f32
    %broadcast_in_dim3A_330 = vector.broadcast %jit3A_329 : f32 to vector<256x4096xf32>
    %select_n3A_331 = arith.select %eq3A_328, %convert_element_type3A, %broadcast_in_dim3A_330 : vector<256x4096xi1>, vector<256x4096xf32>
    %reduce_min3A_332 = arith.constant dense<0x7F800000> : vector<256xf32>
    %reduce_min3A_333 = vector.multi_reduction <minimumf>, %select_n3A_331, %reduce_min3A_332 [1] : vector<256x4096xf32> to vector<256xf32>
    %broadcast_in_dim3A_334 = vector.shape_cast %reduce_min3A_333 : vector<256xf32> to vector<256x1xf32>
    %eq3A_335 = vector.broadcast %broadcast_in_dim3A_334 : vector<256x1xf32> to vector<256x4096xf32>
    %eq3A_336 = arith.cmpf oeq, %select_n3A_331, %eq3A_335 : vector<256x4096xf32>
    %jit3A_337 = arith.constant 0x7F800000 : f32
    %broadcast_in_dim3A_338 = vector.broadcast %jit3A_337 : f32 to vector<256x4096xf32>
    %select_n3A_339 = arith.select %eq3A_336, %broadcast_in_dim3A_338, %select_n3A_317 : vector<256x4096xi1>, vector<256x4096xf32>
    %eq3A_340 = arith.constant 13 : i32
    %eq3A_341 = vector.broadcast %eq3A_340 : i32 to vector<256x16xi32>
    %eq3A_342 = arith.cmpi eq, %iota3A_23, %eq3A_341 : vector<256x16xi32>
    %broadcast_in_dim3A_343 = vector.shape_cast %broadcast_in_dim3A_334 : vector<256x1xf32> to vector<256x1xf32>
    %broadcast_in_dim3A_344 = vector.broadcast %broadcast_in_dim3A_343 : vector<256x1xf32> to vector<256x16xf32>
    %select_n3A_345 = arith.select %eq3A_342, %broadcast_in_dim3A_344, %select_n3A_323 : vector<256x16xi1>, vector<256x16xf32>
    %reduce_min3A_346 = arith.constant dense<0x7F800000> : vector<256xf32>
    %reduce_min3A_347 = vector.multi_reduction <minimumf>, %select_n3A_339, %reduce_min3A_346 [1] : vector<256x4096xf32> to vector<256xf32>
    %broadcast_in_dim3A_348 = vector.shape_cast %reduce_min3A_347 : vector<256xf32> to vector<256x1xf32>
    %eq3A_349 = vector.broadcast %broadcast_in_dim3A_348 : vector<256x1xf32> to vector<256x4096xf32>
    %eq3A_350 = arith.cmpf oeq, %select_n3A_339, %eq3A_349 : vector<256x4096xf32>
    %jit3A_351 = arith.constant 1.000000e+30 : f32
    %broadcast_in_dim3A_352 = vector.broadcast %jit3A_351 : f32 to vector<256x4096xf32>
    %select_n3A_353 = arith.select %eq3A_350, %convert_element_type3A, %broadcast_in_dim3A_352 : vector<256x4096xi1>, vector<256x4096xf32>
    %reduce_min3A_354 = arith.constant dense<0x7F800000> : vector<256xf32>
    %reduce_min3A_355 = vector.multi_reduction <minimumf>, %select_n3A_353, %reduce_min3A_354 [1] : vector<256x4096xf32> to vector<256xf32>
    %broadcast_in_dim3A_356 = vector.shape_cast %reduce_min3A_355 : vector<256xf32> to vector<256x1xf32>
    %eq3A_357 = vector.broadcast %broadcast_in_dim3A_356 : vector<256x1xf32> to vector<256x4096xf32>
    %eq3A_358 = arith.cmpf oeq, %select_n3A_353, %eq3A_357 : vector<256x4096xf32>
    %jit3A_359 = arith.constant 0x7F800000 : f32
    %broadcast_in_dim3A_360 = vector.broadcast %jit3A_359 : f32 to vector<256x4096xf32>
    %select_n3A_361 = arith.select %eq3A_358, %broadcast_in_dim3A_360, %select_n3A_339 : vector<256x4096xi1>, vector<256x4096xf32>
    %eq3A_362 = arith.constant 14 : i32
    %eq3A_363 = vector.broadcast %eq3A_362 : i32 to vector<256x16xi32>
    %eq3A_364 = arith.cmpi eq, %iota3A_23, %eq3A_363 : vector<256x16xi32>
    %broadcast_in_dim3A_365 = vector.shape_cast %broadcast_in_dim3A_356 : vector<256x1xf32> to vector<256x1xf32>
    %broadcast_in_dim3A_366 = vector.broadcast %broadcast_in_dim3A_365 : vector<256x1xf32> to vector<256x16xf32>
    %select_n3A_367 = arith.select %eq3A_364, %broadcast_in_dim3A_366, %select_n3A_345 : vector<256x16xi1>, vector<256x16xf32>
    %reduce_min3A_368 = arith.constant dense<0x7F800000> : vector<256xf32>
    %reduce_min3A_369 = vector.multi_reduction <minimumf>, %select_n3A_361, %reduce_min3A_368 [1] : vector<256x4096xf32> to vector<256xf32>
    %broadcast_in_dim3A_370 = vector.shape_cast %reduce_min3A_369 : vector<256xf32> to vector<256x1xf32>
    %eq3A_371 = vector.broadcast %broadcast_in_dim3A_370 : vector<256x1xf32> to vector<256x4096xf32>
    %eq3A_372 = arith.cmpf oeq, %select_n3A_361, %eq3A_371 : vector<256x4096xf32>
    %jit3A_373 = arith.constant 1.000000e+30 : f32
    %broadcast_in_dim3A_374 = vector.broadcast %jit3A_373 : f32 to vector<256x4096xf32>
    %select_n3A_375 = arith.select %eq3A_372, %convert_element_type3A, %broadcast_in_dim3A_374 : vector<256x4096xi1>, vector<256x4096xf32>
    %reduce_min3A_376 = arith.constant dense<0x7F800000> : vector<256xf32>
    %reduce_min3A_377 = vector.multi_reduction <minimumf>, %select_n3A_375, %reduce_min3A_376 [1] : vector<256x4096xf32> to vector<256xf32>
    %broadcast_in_dim3A_378 = vector.shape_cast %reduce_min3A_377 : vector<256xf32> to vector<256x1xf32>
    %eq3A_379 = arith.constant 15 : i32
    %eq3A_380 = vector.broadcast %eq3A_379 : i32 to vector<256x16xi32>
    %eq3A_381 = arith.cmpi eq, %iota3A_23, %eq3A_380 : vector<256x16xi32>
    %broadcast_in_dim3A_382 = vector.shape_cast %broadcast_in_dim3A_378 : vector<256x1xf32> to vector<256x1xf32>
    %broadcast_in_dim3A_383 = vector.broadcast %broadcast_in_dim3A_382 : vector<256x1xf32> to vector<256x16xf32>
    %select_n3A_384 = arith.select %eq3A_381, %broadcast_in_dim3A_383, %select_n3A_367 : vector<256x16xi1>, vector<256x16xf32>
    %convert_element_type3A_385 = arith.fptosi %select_n3A_384 : vector<256x16xf32> to vector<256x16xi32>
    %mul3A_386 = arith.constant 4096 : i32
    %mul3A_387 = arith.muli %arg0, %mul3A_386 : i32
    %add3A_388 = vector.broadcast %mul3A_387 : i32 to vector<256x16xi32>
    %add3A_389 = arith.addi %convert_element_type3A_385, %add3A_388 : vector<256x16xi32>
    %swap3A = arith.constant 0 : index
    %swap3A_390 = arith.constant 0 : index
    %swap3A_391 = vector.load %arg8[%swap3A, %swap3A_390] : memref<256x16xi32, #tpu.memory_space<vmem>>, vector<256x16xi32>
    tpu.vector_store %arg8[%swap3A, %swap3A_390], %add3A_389 {strides = array<i32>} : memref<256x16xi32, #tpu.memory_space<vmem>>, vector<256x16xi32>,
    %get3A_392 = arith.constant 0 : index
    %get3A_393 = arith.constant 0 : index
    %get3A_394 = arith.constant 0 : index
    %get3A_395 = vector.load %arg4[%get3A_392, %get3A_393, %get3A_394] : memref<1x256x32xf32, #tpu.memory_space<vmem>>, vector<1x256x32xf32>
    %get3A_396 = vector.shape_cast %get3A_395 : vector<1x256x32xf32> to vector<256x32xf32>
    %get3A_397 = arith.constant 0 : index
    %get3A_398 = arith.constant 0 : index
    %get3A_399 = vector.load %arg5[%get3A_397, %get3A_398] : memref<32x64xf32, #tpu.memory_space<vmem>>, vector<32x64xf32>
    %dot_general3A_400 = arith.constant dense<0.000000e+00> : vector<256x64xf32>
    %dot_general3A_401 = tpu.matmul %get3A_396, %get3A_399, %dot_general3A_400 {dimension_numbers = #tpu.dot_dimension_numbers<[1], [0], [0], [1], [0, 0, 1, 1], [], []>, transpose_lhs_hint = false} : vector<256x32xf32>, vector<32x64xf32>, vector<256x64xf32> -> vector<256x64xf32>
    %get3A_402 = arith.constant 0 : index
    %get3A_403 = arith.constant 0 : index
    %get3A_404 = vector.load %arg6[%get3A_402, %get3A_403] : memref<32x64xf32, #tpu.memory_space<vmem>>, vector<32x64xf32>
    %dot_general3A_405 = arith.constant dense<0.000000e+00> : vector<256x64xf32>
    %dot_general3A_406 = tpu.matmul %get3A_396, %get3A_404, %dot_general3A_405 {dimension_numbers = #tpu.dot_dimension_numbers<[1], [0], [0], [1], [0, 0, 1, 1], [], []>, transpose_lhs_hint = false} : vector<256x32xf32>, vector<32x64xf32>, vector<256x64xf32> -> vector<256x64xf32>
    %get3A_407 = arith.constant 0 : index
    %get3A_408 = arith.constant 0 : index
    %get3A_409 = vector.load %arg7[%get3A_407, %get3A_408] : memref<1x64xf32, #tpu.memory_space<vmem>>, vector<1x64xf32>
    %add3A_410 = vector.broadcast %get3A_409 : vector<1x64xf32> to vector<256x64xf32>
    %add3A_411 = arith.addf %dot_general3A_406, %add3A_410 : vector<256x64xf32>
    %concatenate3A = tpu.concatenate %dot_general3A_401, %add3A_411 in 1 : vector<256x64xf32>, vector<256x64xf32> -> vector<256x128xf32>
    %swap3A_412 = arith.constant 0 : index
    %swap3A_413 = arith.constant 0 : index
    %swap3A_414 = vector.load %arg9[%swap3A_412, %swap3A_413] : memref<256x128xf32, #tpu.memory_space<vmem>>, vector<256x128xf32>
    tpu.vector_store %arg9[%swap3A_412, %swap3A_413], %concatenate3A {strides = array<i32>} : memref<256x128xf32, #tpu.memory_space<vmem>>, vector<256x128xf32>,
    return
  }
  func.func @transform_0(%arg0: i32, %arg1: i32) -> (i32, i32, i32) {
    %c0_i32 = arith.constant 0 : i32
    %c0_i32_0 = arith.constant 0 : i32
    return %arg0, %arg1, %c0_i32 : i32, i32, i32
  }
  func.func @transform_1(%arg0: i32, %arg1: i32) -> (i32, i32, i32) {
    %c0_i32 = arith.constant 0 : i32
    %c0_i32_0 = arith.constant 0 : i32
    %c0_i32_1 = arith.constant 0 : i32
    return %arg0, %c0_i32, %c0_i32_0 : i32, i32, i32
  }
  func.func @transform_2(%arg0: i32, %arg1: i32) -> (i32, i32, i32) {
    %c0_i32 = arith.constant 0 : i32
    %c0_i32_0 = arith.constant 0 : i32
    return %arg0, %arg1, %c0_i32 : i32, i32, i32
  }
  func.func @transform_3(%arg0: i32, %arg1: i32) -> (i32, i32) {
    %c0_i32 = arith.constant 0 : i32
    %c0_i32_0 = arith.constant 0 : i32
    %c0_i32_1 = arith.constant 0 : i32
    return %c0_i32, %c0_i32_0 : i32, i32
  }
  func.func @transform_4(%arg0: i32, %arg1: i32) -> (i32, i32) {
    %c0_i32 = arith.constant 0 : i32
    %c0_i32_0 = arith.constant 0 : i32
    %c0_i32_1 = arith.constant 0 : i32
    return %c0_i32, %c0_i32_0 : i32, i32
  }
  func.func @transform_5(%arg0: i32, %arg1: i32) -> (i32, i32) {
    %c0_i32 = arith.constant 0 : i32
    %c0_i32_0 = arith.constant 0 : i32
    %c0_i32_1 = arith.constant 0 : i32
    return %c0_i32, %c0_i32_0 : i32, i32
  }
  func.func @transform_6(%arg0: i32, %arg1: i32) -> (i32, i32) {
    %mul3A = arith.constant 16 : i32
    %mul3A_0 = arith.muli %arg0, %mul3A : i32
    %add3A = arith.addi %mul3A_0, %arg1 : i32
    %c0_i32 = arith.constant 0 : i32
    %c0_i32_1 = arith.constant 0 : i32
    return %add3A, %c0_i32 : i32, i32
  }
  func.func @transform_7(%arg0: i32, %arg1: i32) -> (i32, i32) {
    %mul3A = arith.constant 16 : i32
    %mul3A_0 = arith.muli %arg0, %mul3A : i32
    %add3A = arith.addi %mul3A_0, %arg1 : i32
    %c0_i32 = arith.constant 0 : i32
    %c0_i32_1 = arith.constant 0 : i32
    return %add3A, %c0_i32 : i32, i32
  }
}

module attributes {stable_mosaic.version = 14 : i64} {
  func.func @_mlp_body(%arg0: i32, %arg1: memref<2048x128xf32, #tpu.memory_space<vmem>>, %arg2: memref<128x128xf32, #tpu.memory_space<vmem>>, %arg3: memref<64x32xf32, #tpu.memory_space<vmem>>, %arg4: memref<1x32xf32, #tpu.memory_space<vmem>>, %arg5: memref<128x32xf32, #tpu.memory_space<vmem>>) attributes {dimension_semantics = [#tpu.dimension_semantics<arbitrary>], iteration_bounds = array<i64: 64>, scalar_prefetch = 0 : i64, scratch_operands = 0 : i64, tpu.core_type = #tpu.core_type<tc>, window_params = [{transform_indices = @transform_0, window_bounds = array<i64: 2048, 128>}, {transform_indices = @transform_1, window_bounds = array<i64: 128, 128>}, {pipeline_mode = #tpu.pipeline_mode<synchronous>, transform_indices = @transform_2, window_bounds = array<i64: 64, 32>}, {pipeline_mode = #tpu.pipeline_mode<synchronous>, transform_indices = @transform_3, window_bounds = array<i64: 1, 32>}, {transform_indices = @transform_4, window_bounds = array<i64: 128, 32>}]} {
    %get3A = arith.constant 0 : index
    %get3A_0 = arith.constant 0 : index
    %get3A_1 = vector.load %arg1[%get3A, %get3A_0] : memref<2048x128xf32, #tpu.memory_space<vmem>>, vector<2048x128xf32>
    %slice3A = vector.extract_strided_slice %get3A_1 {offsets = [0, 0], sizes = [2048, 64], strides = [1, 1]} : vector<2048x128xf32> to vector<2048x64xf32>
    %get3A_2 = arith.constant 0 : index
    %get3A_3 = arith.constant 0 : index
    %get3A_4 = vector.load %arg2[%get3A_2, %get3A_3] : memref<128x128xf32, #tpu.memory_space<vmem>>, vector<128x128xf32>
    %slice3A_5 = vector.extract_strided_slice %get3A_4 {offsets = [0, 64], sizes = [128, 64], strides = [1, 1]} : vector<128x128xf32> to vector<128x64xf32>
    %reshape3A = vector.shape_cast %slice3A : vector<2048x64xf32> to vector<128x16x64xf32>
    %broadcast_in_dim3A = vector.shape_cast %slice3A_5 : vector<128x64xf32> to vector<128x1x64xf32>
    %add3A = vector.broadcast %broadcast_in_dim3A : vector<128x1x64xf32> to vector<128x16x64xf32>
    %add3A_6 = arith.addf %reshape3A, %add3A : vector<128x16x64xf32>
    %mul3A = arith.constant 0.707106769 : f32
    %mul3A_7 = vector.broadcast %mul3A : f32 to vector<128x16x64xf32>
    %mul3A_8 = arith.mulf %add3A_6, %mul3A_7 : vector<128x16x64xf32>
    %erf3A = math.erf %mul3A_8 : vector<128x16x64xf32>
    %add3A_9 = arith.constant 1.000000e+00 : f32
    %add3A_10 = vector.broadcast %add3A_9 : f32 to vector<128x16x64xf32>
    %add3A_11 = arith.addf %add3A_10, %erf3A : vector<128x16x64xf32>
    %mul3A_12 = arith.constant 5.000000e-01 : f32
    %mul3A_13 = vector.broadcast %mul3A_12 : f32 to vector<128x16x64xf32>
    %mul3A_14 = arith.mulf %mul3A_13, %add3A_11 : vector<128x16x64xf32>
    %mul3A_15 = arith.mulf %add3A_6, %mul3A_14 : vector<128x16x64xf32>
    %reshape3A_16 = vector.shape_cast %mul3A_15 : vector<128x16x64xf32> to vector<2048x64xf32>
    %get3A_17 = arith.constant 0 : index
    %get3A_18 = arith.constant 0 : index
    %get3A_19 = vector.load %arg3[%get3A_17, %get3A_18] : memref<64x32xf32, #tpu.memory_space<vmem>>, vector<64x32xf32>
    %dot_general3A = arith.constant dense<0.000000e+00> : vector<2048x32xf32>
    %dot_general3A_20 = tpu.matmul %reshape3A_16, %get3A_19, %dot_general3A {dimension_numbers = #tpu.dot_dimension_numbers<[1], [0], [0], [1], [0, 0, 1, 1], [], []>, transpose_lhs_hint = false} : vector<2048x64xf32>, vector<64x32xf32>, vector<2048x32xf32> -> vector<2048x32xf32>
    %get3A_21 = arith.constant 0 : index
    %get3A_22 = arith.constant 0 : index
    %get3A_23 = vector.load %arg4[%get3A_21, %get3A_22] : memref<1x32xf32, #tpu.memory_space<vmem>>, vector<1x32xf32>
    %add3A_24 = vector.broadcast %get3A_23 : vector<1x32xf32> to vector<2048x32xf32>
    %add3A_25 = arith.addf %dot_general3A_20, %add3A_24 : vector<2048x32xf32>
    %mul3A_26 = arith.constant 0.707106769 : f32
    %mul3A_27 = vector.broadcast %mul3A_26 : f32 to vector<2048x32xf32>
    %mul3A_28 = arith.mulf %add3A_25, %mul3A_27 : vector<2048x32xf32>
    %erf3A_29 = math.erf %mul3A_28 : vector<2048x32xf32>
    %add3A_30 = arith.constant 1.000000e+00 : f32
    %add3A_31 = vector.broadcast %add3A_30 : f32 to vector<2048x32xf32>
    %add3A_32 = arith.addf %add3A_31, %erf3A_29 : vector<2048x32xf32>
    %mul3A_33 = arith.constant 5.000000e-01 : f32
    %mul3A_34 = vector.broadcast %mul3A_33 : f32 to vector<2048x32xf32>
    %mul3A_35 = arith.mulf %mul3A_34, %add3A_32 : vector<2048x32xf32>
    %mul3A_36 = arith.mulf %add3A_25, %mul3A_35 : vector<2048x32xf32>
    %reshape3A_37 = vector.shape_cast %mul3A_36 : vector<2048x32xf32> to vector<128x16x32xf32>
    %reduce_sum3A = arith.constant dense<0.000000e+00> : vector<128x32xf32>
    %reduce_sum3A_38 = vector.multi_reduction <add>, %reshape3A_37, %reduce_sum3A [1] : vector<128x16x32xf32> to vector<128x32xf32>
    %mul3A_39 = arith.constant 6.250000e-02 : f32
    %mul3A_40 = vector.broadcast %mul3A_39 : f32 to vector<128x32xf32>
    %mul3A_41 = arith.mulf %reduce_sum3A_38, %mul3A_40 : vector<128x32xf32>
    %swap3A = arith.constant 0 : index
    %swap3A_42 = arith.constant 0 : index
    %swap3A_43 = vector.load %arg5[%swap3A, %swap3A_42] : memref<128x32xf32, #tpu.memory_space<vmem>>, vector<128x32xf32>
    tpu.vector_store %arg5[%swap3A, %swap3A_42], %mul3A_41 {strides = array<i32>} : memref<128x32xf32, #tpu.memory_space<vmem>>, vector<128x32xf32>,
    return
  }
  func.func @transform_0(%arg0: i32) -> (i32, i32) {
    %c0_i32 = arith.constant 0 : i32
    %c0_i32_0 = arith.constant 0 : i32
    return %arg0, %c0_i32 : i32, i32
  }
  func.func @transform_1(%arg0: i32) -> (i32, i32) {
    %c0_i32 = arith.constant 0 : i32
    %c0_i32_0 = arith.constant 0 : i32
    return %arg0, %c0_i32 : i32, i32
  }
  func.func @transform_2(%arg0: i32) -> (i32, i32) {
    %c0_i32 = arith.constant 0 : i32
    %c0_i32_0 = arith.constant 0 : i32
    %c0_i32_1 = arith.constant 0 : i32
    return %c0_i32, %c0_i32_0 : i32, i32
  }
  func.func @transform_3(%arg0: i32) -> (i32, i32) {
    %c0_i32 = arith.constant 0 : i32
    %c0_i32_0 = arith.constant 0 : i32
    %c0_i32_1 = arith.constant 0 : i32
    return %c0_i32, %c0_i32_0 : i32, i32
  }
  func.func @transform_4(%arg0: i32) -> (i32, i32) {
    %c0_i32 = arith.constant 0 : i32
    %c0_i32_0 = arith.constant 0 : i32
    return %arg0, %c0_i32 : i32, i32
  }
}

</mosaic_0001>

<sc_bundles>
// kernel: kernel.11.cloned.1.call-start
scs
__scs_entry_jumppad:
0x0: {  	(pc) =	sbr.rel $0x88, $3  }
0x1: {  	(tag) =	ssettag $0x0;
	lr =	simm.s32 $0x1  }
0x2: {  	[smem:$0x3F9B] =	sst lr;
	_ =	strace $0xD0000000  }
0x3: {  	_ = 	snop  }
0x4: {  	_ = 	snop  }
0x5: {  	_ = 	snop  }
0x6: {  	_ = 	snop  }
0x7: {  	_ = 	snop  }
__scs_overlays_trampoline_lowered:
0x8: {  	[smem:$0x3FAA] =	sst s0  }
0x9: {  	[smem:$0x3FAB] =	sst s1  }
0xa: {  	[smem:$0x3FAC] =	sst s2  }
0xb: {  	[smem:$0x3FAD] =	sst s3  }
0xc: {  	[smem:$0x3FAE] =	sst s4  }
0xd: {  	[smem:$0x3FAF] =	sst s5  }
0xe: {  	[smem:$0x3FB0] =	sst s6  }
0xf: {  	[smem:$0x3FB1] =	sst s7  }
0x10: {  	[smem:$0x3FB2] =	sst s8  }
0x11: {  	[smem:$0x3FB3] =	sst s9;
	s0 =	simm.s32 @!p0 $0x0  }
0x12: {  	s1 =	sld [smem:$0x3F99];
	s0 =	simm.s32 @p0 $0x1  }
0x13: {  	[smem:$0x3FB4] =	sst s0;
	s0 =	simm.s32 @!p1 $0x0  }
0x14: {  	s2 =	sld [smem:$0x3F98];
	s0 =	simm.s32 @p1 $0x1  }
0x15: {  	[smem:$0x3FB5] =	sst s0;
	s0 =	simm.s32 @!p2 $0x0  }
0x16: {  	s3 =	sld [smem:$0x3FDB];
	s0 =	simm.s32 @p2 $0x1  }
0x17: {  	s4 =	simm.s32 $0x1BF5;
	[smem:$0x3FB7] =	sst s0  }
0x18: {  	s0 =	sld [smem:$0x3F9A];
	_ =	swait.ge [sflag:s4], $0x0  }
0x19: {  	s7 =	sld [smem:$0x3F9B]  }
0x1a: {  	s8 =	sadd.s32 $0xFFFFE003, lr  }
0x1b: {  	s9 =	sadd.s32 $0xFFFFFEF7, lr;
	s5 =	simm.s32 $0xFFFFFFFF;
	p2 =	slt.u32 s8, $0xFFFFF086  }
0x1c: {  	p1 =	slt.u32 s9, $0xF7A;
	s5 =	simm.s32 @!p2 $0x0  }
0x1d: {  	s5 =	simm.s32 @p1 $0x1;
	p0 =	seq.s32 s7, s2  }
0x1e: {  	s7 =	smul.u32 @!p0 $0xF7A, s2;
	p2 =	seq.s32 @!p0 s5, $0x0  }
0x1f: {  	s9 =	smul.u32 $0xF7A, s1;
	s8 =	simm.s32 @!p0 $0x1BF5;
	p2 =	por !p2, p0  }
0x20: {  	[sflag:s8] =	ssyncset.s32 @!p0 $0xFFFFF086;
	s6 =	sadd.s32 @!p0 s3, s7;
	s7 =	simm.s32 @!p0 $0x108  }
0x21: {  	s3 =	sadd.s32 s3, s9;
	s6 =	sadd.s32 @!p0 $0x88, s6;
	s7 =	simm.s32 @p2 $0x1082  }
0x22: {  	[simem:s7], [sflag:s8] =	dma.local @!p0 [hbm:s6], $0xF7A  }
0x23: {  	s9 =	sor.u32 $0xD0000000, s2;
	s6 =	simm.s32 $0x108;
	_ =	swait.ge @!p0 [sflag:s8], $0x0  }
0x24: {  	s3 =	sadd.s32 $0x88, s3;
	s6 =	simm.s32 @!p1 $0x1082;
	[sflag:s4] =	ssyncset.s32 $0xFFFFF086  }
0x25: {  	[simem:s6], [sflag:s4] =	dma.local [hbm:s3], $0xF7A  }
0x26: {  	[smem:$0x3F9B] =	sst s1;
	(tag) =	ssettag s2;
	_ =	strace s9  }
0x27: {  	s1 =	sld [smem:$0x3FAB]  }
0x28: {  	s2 =	sld [smem:$0x3FAC]  }
0x29: {  	s4 =	sld [smem:$0x3FAE]  }
0x2a: {  	p0 =	seq.s32 s5, $0x0;
	s5 =	sld [smem:$0x3FAF]  }
0x2b: {  	s6 =	sld [smem:$0x3FB0]  }
0x2c: {  	s7 =	sld [smem:$0x3FB1]  }
0x2d: {  	s3 =	simm.s32 $0x108;
	s8 =	sld [smem:$0x3FB2]  }
0x2e: {  	s3 =	simm.s32 @!p0 $0x1082;
	s9 =	sld [smem:$0x3FB3]  }
0x2f: {  	lr =	sadd.s32 s0, s3;
	s0 =	sld [smem:$0x3FAA]  }
0x30: {  	s3 =	sld [smem:$0x3FAD]  }
0x31: {  	[smem:$0x3FB6] =	sst s10  }
0x32: {  	s10 =	sld [smem:$0x3FB4];
	_ =	sdelay $0x3  }
0x33: {  	p0 =	seq.s32 s10, $0x1;
	s10 =	sld [smem:$0x3FB6];
	_ =	sdelay $0x3  }
0x34: {  	[smem:$0x3FB6] =	sst s10  }
0x35: {  	s10 =	sld [smem:$0x3FB5];
	_ =	sdelay $0x3  }
0x36: {  	p1 =	seq.s32 s10, $0x1;
	s10 =	sld [smem:$0x3FB6];
	_ =	sdelay $0x3  }
0x37: {  	[smem:$0x3FB6] =	sst s10  }
0x38: {  	s10 =	sld [smem:$0x3FB7]  }
0x39: {  	_ = 	snop;
	(pc) =	sbr.ind lr, $3  }
0x3a: {  	_ = 	snop  }
0x3b: {  	_ = 	snop  }
0x3c: {  	p2 =	seq.s32 s10, $0x1;
	s10 =	sld [smem:$0x3FB6]  }
0x3d: {  	_ =	shalt  }
0x3e: {  	_ =	shalt  }
0x3f: {  	_ =	shalt  }
0x40: {  	_ =	shalt  }
0x41: {  	_ =	shalt  }
0x42: {  	_ =	shalt  }
0x43: {  	_ =	shalt  }
0x44: {  	_ =	shalt  }
0x45: {  	_ =	shalt  }
0x46: {  	_ =	shalt  }
0x47: {  	_ =	shalt  }
0x48: {  	_ =	shalt  }
0x49: {  	_ =	shalt  }
0x4a: {  	_ =	shalt  }
0x4b: {  	_ =	shalt  }
0x4c: {  	_ =	shalt  }
0x4d: {  	_ =	shalt  }
0x4e: {  	_ =	shalt  }
0x4f: {  	_ =	shalt  }
0x50: {  	_ =	shalt  }
0x51: {  	_ =	shalt  }
0x52: {  	_ =	shalt  }
0x53: {  	_ =	shalt  }
0x54: {  	_ =	shalt  }
0x55: {  	_ =	shalt  }
0x56: {  	_ =	shalt  }
0x57: {  	_ =	shalt  }
0x58: {  	_ =	shalt  }
0x59: {  	_ =	shalt  }
0x5a: {  	_ =	shalt  }
0x5b: {  	_ =	shalt  }
0x5c: {  	_ =	shalt  }
0x5d: {  	_ =	shalt  }
0x5e: {  	_ =	shalt  }
0x5f: {  	_ =	shalt  }
0x60: {  	_ =	shalt  }
0x61: {  	_ =	shalt  }
0x62: {  	_ =	shalt  }
0x63: {  	_ =	shalt  }
0x64: {  	_ =	shalt  }
0x65: {  	_ =	shalt  }
0x66: {  	_ =	shalt  }
0x67: {  	_ =	shalt  }
0x68: {  	_ =	shalt  }
0x69: {  	_ =	shalt  }
0x6a: {  	_ =	shalt  }
0x6b: {  	_ =	shalt  }
0x6c: {  	_ =	shalt  }
0x6d: {  	_ =	shalt  }
0x6e: {  	_ =	shalt  }
0x6f: {  	_ =	shalt  }
0x70: {  	_ =	shalt  }
0x71: {  	_ =	shalt  }
0x72: {  	_ =	shalt  }
0x73: {  	_ =	shalt  }
0x74: {  	_ =	shalt  }
0x75: {  	_ =	shalt  }
0x76: {  	_ =	shalt  }
0x77: {  	_ =	shalt  }
0x78: {  	_ =	shalt  }
0x79: {  	_ =	shalt  }
0x7a: {  	_ =	shalt  }
0x7b: {  	_ =	shalt  }
0x7c: {  	_ =	shalt  }
0x7d: {  	_ =	shalt  }
0x7e: {  	_ =	shalt  }
0x7f: {  	_ =	shalt  }
0x80: {  	_ =	shalt  }
0x81: {  	_ =	shalt  }
0x82: {  	_ =	shalt  }
0x83: {  	_ =	shalt  }
0x84: {  	_ =	shalt  }
0x85: {  	_ =	shalt  }
0x86: {  	_ =	shalt  }
0x87: {  	_ =	shalt  }
.Lfunc_end0:
.L_simem_size_0:
called_computation.1_lowered:
.L_overlay_start_0:
0x88: {  	s2 =	sld [smem:$0x3FD9]  }
0x89: {  	s3 =	sld [smem:$0x3FFE];
	_ =	sdelay $0x1  }
0x8a: {  	s1 =	srdreg.scid  }
0x8b: {  	s0 =	sand.u32 $0x1, s1  }
0x8c: {  	s17 =	sshll.u32 s0, $0xA;
	s2 =	sadd.s32 s3, s2  }
0x8d: {  	s2 =	sadd.s32 s2, s17  }
0x8e: {  	[smem:$0x3FC2] =	sst s2  }
0x8f: {  	_ = 	snop  }
0x90: {  	s18 =	sld [smem:$0x3FD0];
	(tm) =	ssettm $0x1  }
0x91: {  	s19 =	sld [smem:$0x3FFB];
	_ =	sdelay $0x3  }
0x92: {  	_ =	strace s19  }
0x93: {  	s2 =	sld [smem:$0x3FFC];
	_ =	sdelay $0x3  }
0x94: {  	_ =	strace s2  }
0x95: {  	s2 =	sld [smem:$0x3FFD];
	_ =	sdelay $0x3  }
0x96: {  	_ =	strace s2  }
0x97: {  	_ =	strace $0x8FFFFFFF  }
0x98: {  	s20 =	sld [smem:$0x3FDB];
	_ =	sdelay $0x1  }
0x99: {  	s4 =	simm.s32 $_scs_section_size  }
0x9a: {  	s5 =	simm.s32 $_size__tile_overlayer_lowered;
	s6 =	simm.s32 $_tile_overlayer_lowered  }
0x9b: {  	s7 =	simm.s32 $0x1BFF;
	s21 =	sshll.u32 s6, $0x1;
	s4 =	sadd.s32 s4, s20  }
0x9c: {  	s22 =	simm.s32 $0x0;
	s5 =	sshll.u32 s5, $0x1;
	s6 =	sadd.s32 s21, s4  }
0x9d: {  	[timem:s22], [sflag:s7] =	dma.local [hbm:s6], s5  }
0x9e: {  	_ =	swait.ge [sflag:s7], s5  }
0x9f: {  	s5 =	ssub.s32 $0x0, s5;
	[sflag:s7] =	ssyncset.done $0x0  }
0xa0: {  	[sflag:s7] =	ssyncadd.s32 s5;
	_ =	sdelay $0x1  }
0xa1: {  	s23 =	simm.s32 $0x1B8B  }
0xa2: {  	_ =	swait.ge [sflag:s23], $0x1  }
0xa3: {  	[sflag:s23] =	ssyncset.done $0x0  }
0xa4: {  	[sflag:s23] =	ssyncadd.s32 $0xFFFFFFFF  }
0xa5: {  	s5 =	sld [smem:$0x0]  }
0xa6: {  	s6 =	sand.u32 $0xFFFFFFFE, s1  }
0xa7: {  	p0 =	sne.s32 s1, s6  }
0xa8: {  	s6 =	sshll.u32 @p0 s6, $0xE  }
0xa9: {  	s6 =	sadd.s32 @p0 $0x11B8D, s6;
	s7 =	sshll.u32 @p0 s5, $0x11  }
0xaa: {  	s6 =	sor.u32 @p0 s7, s6  }
0xab: {  	[sflag:s6] =	ssyncadd.remote.s32 @p0 $0x1;
	_ =	sdelay $0x1  }
0xac: {  	s6 =	simm.s32 @p0 $0x1B8D  }
0xad: {  	_ =	swait.eq @p0 [sflag:s6], $0x1  }
0xae: {  	[sflag:s6] =	ssyncadd.s32 @p0 $0xFFFFFFFF  }
0xaf: {  	s7 =	sshll.u32 @!p0 s1, $0xE  }
0xb0: {  	s7 =	sor.u32 @!p0 $0x4000, s7;
	s6 =	simm.s32 @!p0 $0x1B8D  }
0xb1: {  	s5 =	sshll.u32 @!p0 s5, $0x11;
	s7 =	sadd.s32 @!p0 $0x11B8D, s7;
	_ =	swait.eq @!p0 [sflag:s6], $0x1  }
0xb2: {  	s5 =	sor.u32 @!p0 s5, s7;
	[sflag:s6] =	ssyncadd.s32 @!p0 $0xFFFFFFFF  }
0xb3: {  	s25 =	simm.s32 $0x1B8E;
	s24 =	sld [smem:$0x3FFE];
	[sflag:s5] =	ssyncadd.remote.s32 @!p0 $0x1  }
0xb4: {  	s26 =	simm.s32 $execute0_lowered;
	[smem:$0x3FD2] =	sst s25  }
0xb5: {  	s6 =	sshll.u32 s26, $0x1;
	_ =	strace $0x80000049;
	[dreg:$0x1] =	wrdreg $0xFFFFFFFF  }
0xb6: {  	s28 =	simm.s32 $_size_execute0_lowered;
	s4 =	sadd.s32 s4, s6;
	[dreg:$0x0] =	wrdreg $0x0  }
0xb7: {  	s6 =	sshll.u32 s28, $0x1;
	[dreg:$0x2] =	wrdreg s4  }
0xb8: {  	[dreg:$0x3] =	wrdreg s6  }
0xb9: {  	[dreg:$0x4] =	wrdreg $0xC0  }
0xba: {  	_ =	task [dreg:s22], $0x5FFFF  }
0xbb: {  	[dreg:$0x1] =	wrdreg $0xFFFFFFFF  }
0xbc: {  	[dreg:$0x0] =	wrdreg $0x60  }
0xbd: {  	[dreg:$0x2] =	wrdreg s24  }
0xbe: {  	[dreg:$0x3] =	wrdreg s18  }
0xbf: {  	[dreg:$0x4] =	wrdreg $0xA  }
0xc0: {  	_ =	task.clear_ibuf [dreg:s22], $0x5FFFF;
	_ =	strace $0x90000049  }
0xc1: {  	s29 =	simm.s32 $0xA;
	_ =	strace $0x8000004B  }
0xc2: {  	_ =	swait.ge [sflag:s29], $0x1  }
0xc3: {  	[sflag:s29] =	ssyncadd.s32 $0xFFFFFFFF  }
0xc4: {  	_ =	strace $0x9000004B  }
0xc5: {  	_ =	sfence  }
0xc6: {  	s30 =	sld [smem:$0x0];
	_ =	sdelay $0x2  }
0xc7: {  	s31 =	sshll.u32 s1, $0xD;
	s1 =	sshrl.u32 s1, $0x2  }
0xc8: {  	s4 =	sand.u32 $0x4000, s31;
	s1 =	sadd.s32 s1, s30  }
0xc9: {  	s0 =	sor.u32 s4, s0;
	s1 =	sshll.u32 s1, $0x11  }
0xca: {  	s0 =	sor.u32 s1, s0  }
0xcb: {  	s0 =	sadd.s32 $0x8F2B, s0  }
0xcc: {  	[sflag:s0] =	ssyncadd.remote.s32 $0x1  }
0xcd: {  	_ =	sfence.sel $0xFFFF  }
0xce: {  	[dreg:$0x0] =	wrdreg $0xFFFFFFFF;
	(pc) =	sbr.abs _section_cstart, $3  }
0xcf: {  	[dreg:$0x1] =	wrdreg $0xFFFFFFFF  }
0xd0: {  	_ =	task.clear_ibuf [dreg:s22], $0x2FFFF;
	_ =	strace $0x9FFFFFFF  }
0xd1: {  	(tm) =	ssettm $0x7FFFFFFF  }
tec
execute0_lowered:
.L_overlay_start_1:
0x0: {  	(tag) =	ssettag $0x1  }
0x1: {  	s4 =	rddreg [dreg:$0x0]  }
0x2: {  	s5 =	rddreg [dreg:$0x1]  }
0x3: {  	s0 =	rddreg [dreg:$0x2];
	s2 =	simm.s32 $0x0  }
0x4: {  	s1 =	stileid.u32;
	s3 =	srdreg.scid;
	s11 =	simm.s32 $0x0  }
0x5: {  	[smem:$0x7FF] =	sst s2;
	s7 =	sand.u32 $0x1, s3;
	s3 =	sadd.s32 $0x226400, s4  }
0x6: {  	s6 =	sshll.u32 s1, $0x11;
	s9 =	sshll.u32 s1, $0xA;
	_ =	strace $0x8000004A  }
0x7: {  	s6 =	sadd.s32 s6, s4;
	s30 =	ssub.s32 $0x2, s7;
	s10 =	sshll.u32 s7, $0x9  }
0x8: {  	s7 =	sshll.u32 s7, $0x10;
	s8 =	sshrl.u32 s30, $0x1;
	s31 =	sor.u32 s10, s9  }
0x9: {  	s6 =	sadd.s32 s7, s6;
	s7 =	simm.s32 $0x2;
	s9 =	simm.s32 $0x1000  }
0xa: {  	s10 =	simm.s32 $0x1;
	s8 =	ssub.s32 s30, s8;
	s4 =	sadd.s32 s5, s31  }
0xb: {  	s6 =	sadd.s32 $0x246400, s6;
	s5 =	smax.u32 s8, $0x1;
	s8 =	simm.s32 $0x80  }
.LBB2_1:
0xc: {  	[tilespmem:s2], [sflag:$0x2] =	stream.linear.gather [hbm4b:s4+s2], $0x1000, $0x38;
	[tilespmem:$0x5000] =	vst v63  }
0xd: {  	_ =	swait.ge [sflag:s7], $0x1000  }
0xe: {  	[sflag:s7] =	ssyncset.done $0x0  }
0xf: {  	s12 =	simm.s32 $0x0;
	[sflag:s7] =	ssyncadd.s32 $0xFFFFF000  }
0x10: {  	[tilespmem:s9], [sflag:$0x1] =	stream.indirect.gather [hbm4b:s3+s8], $0x80, s12, s8, $0xb8;
	[tilespmem:$0x5000] =	vst v63  }
0x11: {  	_ =	swait.ge [sflag:s10], $0x4000  }
0x12: {  	[sflag:s10] =	ssyncset.done $0x0  }
0x13: {  	[sflag:s10] =	ssyncadd.s32 $0xFFFFC000  }
0x14: {  	[hbm4b:s6+s2] =	stream.linear.scatter [tilespmem:s9], [sflag:$0x2], $0x4000, $0x38;
	[tilespmem:$0x5000] =	vst v63  }
0x15: {  	s13 =	simm.s32 $0x200;
	_ =	swait.ge [sflag:s7], $0x4000  }
0x16: {  	s14 =	simm.s32 $0x400;
	s12 =	sadd.s32 $0x800, s6;
	[sflag:s7] =	ssyncset.done $0x0  }
.LBB2_2:
0x17: {  	s15 =	sshra.s32 s13, $0x2  }
0x18: {  	[sflag:s7] =	ssyncadd.s32 $0xFFFFC000;
	s13 =	smov.u32 s14;
	s16 =	sadd.s32 $0x200, s14  }
0x19: {  	[tilespmem:s9], [sflag:$0x1] =	stream.indirect.gather [hbm4b:s3+s8], $0x80, s15, s8, $0xb8;
	[tilespmem:$0x5000] =	vst v63  }
0x1a: {  	p0 =	sne.s32 s14, $0x3E00;
	_ =	swait.ge [sflag:s10], $0x4000  }
.Ltmp0:
0x1b: {  	[sflag:s10] =	ssyncset.done $0x0;
	(pc) =	sbr.rel @p0 .LBB2_2-.Ltmp0, $4  }
0x1c: {  	[sflag:s10] =	ssyncadd.s32 $0xFFFFC000  }
0x1d: {  	[hbm4b:s12+s2] =	stream.linear.scatter [tilespmem:s9], [sflag:$0x2], $0x4000, $0x38;
	[tilespmem:$0x5000] =	vst v63  }
0x1e: {  	_ =	swait.ge [sflag:s7], $0x4000  }
0x1f: {  	s14 =	smov.u32 s16;
	s12 =	sadd.s32 $0x800, s12;
	[sflag:s7] =	ssyncset.done $0x0  }
0x20: {  	s13 =	sshra.s32 s13, $0x2;
	[sflag:s7] =	ssyncadd.s32 $0xFFFFC000  }
0x21: {  	[tilespmem:s9], [sflag:$0x1] =	stream.indirect.gather [hbm4b:s3+s8], $0x80, s13, s8, $0xb8;
	[tilespmem:$0x5000] =	vst v63  }
0x22: {  	s11 =	sadd.s32 $0x1, s11;
	_ =	swait.ge [sflag:s10], $0x4000  }
0x23: {  	p0 =	sne.s32 s11, s5;
	[sflag:s10] =	ssyncset.done $0x0  }
.Ltmp1:
0x24: {  	[sflag:s10] =	ssyncadd.s32 $0xFFFFC000;
	(pc) =	sbr.rel @p0 .LBB2_1-.Ltmp1, $4  }
0x25: {  	[hbm4b:s12+s2] =	stream.linear.scatter [tilespmem:s9], [sflag:$0x2], $0x4000, $0x38;
	[tilespmem:$0x5000] =	vst v63  }
0x26: {  	_ =	swait.ge [sflag:s7], $0x4000  }
0x27: {  	[sflag:s7] =	ssyncset.done $0x0  }
0x28: {  	[sflag:s7] =	ssyncadd.s32 $0xFFFFC000  }
0x29: {  	_ =	sfence.sel $0x180000  }
0x2a: {  	[bflag:$0x0] =	sbarrier.arrive $0xFFFF  }
0x2b: {  	p0 =	sne.s32 s1, $0x0;
	_ =	strace $0x9000004A  }
0x2c: {  	s0 =	sadd.s32 @!p0 $0x100000, s0;
	[bflag:$0x2] =	sbarrier.arrive $0xFFFF  }
0x2d: {  	[sflag:s0] =	ssyncadd.tile.s32 @!p0 $0x1;
	_ =	shalt  }
.Lfunc_end2:
_tile_overlayer_lowered:
.L_overlay_start_2:
0x2e: {  	(tag) =	ssettag $0x2  }
0x2f: {  	s0 =	rddreg [dreg:$0x0];
	s2 =	stileid.u32  }
0x30: {  	s1 =	rddreg [dreg:$0x1];
	p0 =	sne.s32 s2, $0x0  }
0x31: {  	s3 =	rddreg [dreg:$0x2];
	[bflag:$0x3] =	sbarrier.arrive $0xFFFF;
	s2 =	simm.s32 @!p0 $0x1C02  }
0x32: {  	[timem:s3], [sflag:s2] =	dma.local @!p0 [hbm:s0], s1  }
0x33: {  	s0 =	simm.s32 @!p0 $0x2  }
0x34: {  	_ =	swait.ge @!p0 [sflag:s0], s1  }
0x35: {  	s1 =	ssub.s32 @!p0 $0x0, s1;
	[sflag:s0] =	ssyncset.done @!p0 $0x0  }
0x36: {  	[sflag:s0] =	ssyncadd.s32 @!p0 s1  }
0x37: {  	[bflag:$0x3] =	sbarrier.arrive $0xFFFF  }
0x38: {  	_ =	shalt  }

// kernel: kernel.8.cloned.1.call-start
scs
__scs_entry_jumppad:
0x0: {  	(pc) =	sbr.rel $0x88, $3  }
0x1: {  	(tag) =	ssettag $0x0;
	lr =	simm.s32 $0x1  }
0x2: {  	[smem:$0x3F9B] =	sst lr;
	_ =	strace $0xD0000000  }
0x3: {  	_ = 	snop  }
0x4: {  	_ = 	snop  }
0x5: {  	_ = 	snop  }
0x6: {  	_ = 	snop  }
0x7: {  	_ = 	snop  }
__scs_overlays_trampoline_lowered:
0x8: {  	[smem:$0x3FAA] =	sst s0  }
0x9: {  	[smem:$0x3FAB] =	sst s1  }
0xa: {  	[smem:$0x3FAC] =	sst s2  }
0xb: {  	[smem:$0x3FAD] =	sst s3  }
0xc: {  	[smem:$0x3FAE] =	sst s4  }
0xd: {  	[smem:$0x3FAF] =	sst s5  }
0xe: {  	[smem:$0x3FB0] =	sst s6  }
0xf: {  	[smem:$0x3FB1] =	sst s7  }
0x10: {  	[smem:$0x3FB2] =	sst s8  }
0x11: {  	[smem:$0x3FB3] =	sst s9;
	s0 =	simm.s32 @!p0 $0x0  }
0x12: {  	s1 =	sld [smem:$0x3F99];
	s0 =	simm.s32 @p0 $0x1  }
0x13: {  	[smem:$0x3FB4] =	sst s0;
	s0 =	simm.s32 @!p1 $0x0  }
0x14: {  	s2 =	sld [smem:$0x3F98];
	s0 =	simm.s32 @p1 $0x1  }
0x15: {  	[smem:$0x3FB5] =	sst s0;
	s0 =	simm.s32 @!p2 $0x0  }
0x16: {  	s3 =	sld [smem:$0x3FDB];
	s0 =	simm.s32 @p2 $0x1  }
0x17: {  	s4 =	simm.s32 $0x1BF5;
	[smem:$0x3FB7] =	sst s0  }
0x18: {  	s0 =	sld [smem:$0x3F9A];
	_ =	swait.ge [sflag:s4], $0x0  }
0x19: {  	s7 =	sld [smem:$0x3F9B]  }
0x1a: {  	s8 =	sadd.s32 $0xFFFFE003, lr  }
0x1b: {  	s9 =	sadd.s32 $0xFFFFFEF7, lr;
	s5 =	simm.s32 $0xFFFFFFFF;
	p2 =	slt.u32 s8, $0xFFFFF086  }
0x1c: {  	p1 =	slt.u32 s9, $0xF7A;
	s5 =	simm.s32 @!p2 $0x0  }
0x1d: {  	s5 =	simm.s32 @p1 $0x1;
	p0 =	seq.s32 s7, s2  }
0x1e: {  	s7 =	smul.u32 @!p0 $0xF7A, s2;
	p2 =	seq.s32 @!p0 s5, $0x0  }
0x1f: {  	s9 =	smul.u32 $0xF7A, s1;
	s8 =	simm.s32 @!p0 $0x1BF5;
	p2 =	por !p2, p0  }
0x20: {  	[sflag:s8] =	ssyncset.s32 @!p0 $0xFFFFF086;
	s6 =	sadd.s32 @!p0 s3, s7;
	s7 =	simm.s32 @!p0 $0x108  }
0x21: {  	s3 =	sadd.s32 s3, s9;
	s6 =	sadd.s32 @!p0 $0x88, s6;
	s7 =	simm.s32 @p2 $0x1082  }
0x22: {  	[simem:s7], [sflag:s8] =	dma.local @!p0 [hbm:s6], $0xF7A  }
0x23: {  	s9 =	sor.u32 $0xD0000000, s2;
	s6 =	simm.s32 $0x108;
	_ =	swait.ge @!p0 [sflag:s8], $0x0  }
0x24: {  	s3 =	sadd.s32 $0x88, s3;
	s6 =	simm.s32 @!p1 $0x1082;
	[sflag:s4] =	ssyncset.s32 $0xFFFFF086  }
0x25: {  	[simem:s6], [sflag:s4] =	dma.local [hbm:s3], $0xF7A  }
0x26: {  	[smem:$0x3F9B] =	sst s1;
	(tag) =	ssettag s2;
	_ =	strace s9  }
0x27: {  	s1 =	sld [smem:$0x3FAB]  }
0x28: {  	s2 =	sld [smem:$0x3FAC]  }
0x29: {  	s4 =	sld [smem:$0x3FAE]  }
0x2a: {  	p0 =	seq.s32 s5, $0x0;
	s5 =	sld [smem:$0x3FAF]  }
0x2b: {  	s6 =	sld [smem:$0x3FB0]  }
0x2c: {  	s7 =	sld [smem:$0x3FB1]  }
0x2d: {  	s3 =	simm.s32 $0x108;
	s8 =	sld [smem:$0x3FB2]  }
0x2e: {  	s3 =	simm.s32 @!p0 $0x1082;
	s9 =	sld [smem:$0x3FB3]  }
0x2f: {  	lr =	sadd.s32 s0, s3;
	s0 =	sld [smem:$0x3FAA]  }
0x30: {  	s3 =	sld [smem:$0x3FAD]  }
0x31: {  	[smem:$0x3FB6] =	sst s10  }
0x32: {  	s10 =	sld [smem:$0x3FB4];
	_ =	sdelay $0x3  }
0x33: {  	p0 =	seq.s32 s10, $0x1;
	s10 =	sld [smem:$0x3FB6];
	_ =	sdelay $0x3  }
0x34: {  	[smem:$0x3FB6] =	sst s10  }
0x35: {  	s10 =	sld [smem:$0x3FB5];
	_ =	sdelay $0x3  }
0x36: {  	p1 =	seq.s32 s10, $0x1;
	s10 =	sld [smem:$0x3FB6];
	_ =	sdelay $0x3  }
0x37: {  	[smem:$0x3FB6] =	sst s10  }
0x38: {  	s10 =	sld [smem:$0x3FB7]  }
0x39: {  	_ = 	snop;
	(pc) =	sbr.ind lr, $3  }
0x3a: {  	_ = 	snop  }
0x3b: {  	_ = 	snop  }
0x3c: {  	p2 =	seq.s32 s10, $0x1;
	s10 =	sld [smem:$0x3FB6]  }
0x3d: {  	_ =	shalt  }
0x3e: {  	_ =	shalt  }
0x3f: {  	_ =	shalt  }
0x40: {  	_ =	shalt  }
0x41: {  	_ =	shalt  }
0x42: {  	_ =	shalt  }
0x43: {  	_ =	shalt  }
0x44: {  	_ =	shalt  }
0x45: {  	_ =	shalt  }
0x46: {  	_ =	shalt  }
0x47: {  	_ =	shalt  }
0x48: {  	_ =	shalt  }
0x49: {  	_ =	shalt  }
0x4a: {  	_ =	shalt  }
0x4b: {  	_ =	shalt  }
0x4c: {  	_ =	shalt  }
0x4d: {  	_ =	shalt  }
0x4e: {  	_ =	shalt  }
0x4f: {  	_ =	shalt  }
0x50: {  	_ =	shalt  }
0x51: {  	_ =	shalt  }
0x52: {  	_ =	shalt  }
0x53: {  	_ =	shalt  }
0x54: {  	_ =	shalt  }
0x55: {  	_ =	shalt  }
0x56: {  	_ =	shalt  }
0x57: {  	_ =	shalt  }
0x58: {  	_ =	shalt  }
0x59: {  	_ =	shalt  }
0x5a: {  	_ =	shalt  }
0x5b: {  	_ =	shalt  }
0x5c: {  	_ =	shalt  }
0x5d: {  	_ =	shalt  }
0x5e: {  	_ =	shalt  }
0x5f: {  	_ =	shalt  }
0x60: {  	_ =	shalt  }
0x61: {  	_ =	shalt  }
0x62: {  	_ =	shalt  }
0x63: {  	_ =	shalt  }
0x64: {  	_ =	shalt  }
0x65: {  	_ =	shalt  }
0x66: {  	_ =	shalt  }
0x67: {  	_ =	shalt  }
0x68: {  	_ =	shalt  }
0x69: {  	_ =	shalt  }
0x6a: {  	_ =	shalt  }
0x6b: {  	_ =	shalt  }
0x6c: {  	_ =	shalt  }
0x6d: {  	_ =	shalt  }
0x6e: {  	_ =	shalt  }
0x6f: {  	_ =	shalt  }
0x70: {  	_ =	shalt  }
0x71: {  	_ =	shalt  }
0x72: {  	_ =	shalt  }
0x73: {  	_ =	shalt  }
0x74: {  	_ =	shalt  }
0x75: {  	_ =	shalt  }
0x76: {  	_ =	shalt  }
0x77: {  	_ =	shalt  }
0x78: {  	_ =	shalt  }
0x79: {  	_ =	shalt  }
0x7a: {  	_ =	shalt  }
0x7b: {  	_ =	shalt  }
0x7c: {  	_ =	shalt  }
0x7d: {  	_ =	shalt  }
0x7e: {  	_ =	shalt  }
0x7f: {  	_ =	shalt  }
0x80: {  	_ =	shalt  }
0x81: {  	_ =	shalt  }
0x82: {  	_ =	shalt  }
0x83: {  	_ =	shalt  }
0x84: {  	_ =	shalt  }
0x85: {  	_ =	shalt  }
0x86: {  	_ =	shalt  }
0x87: {  	_ =	shalt  }
.Lfunc_end0:
.L_simem_size_0:
called_computation_lowered:
.L_overlay_start_0:
0x88: {  	s2 =	sld [smem:$0x3FD9]  }
0x89: {  	s3 =	sld [smem:$0x3FFE];
	_ =	sdelay $0x1  }
0x8a: {  	s1 =	srdreg.scid  }
0x8b: {  	s0 =	sand.u32 $0x1, s1  }
0x8c: {  	s16 =	sshll.u32 s0, $0xA;
	s2 =	sadd.s32 s3, s2  }
0x8d: {  	s2 =	sadd.s32 s2, s16  }
0x8e: {  	[smem:$0x3FC2] =	sst s2  }
0x8f: {  	_ = 	snop  }
0x90: {  	(tm) =	ssettm $0x1  }
0x91: {  	s17 =	sld [smem:$0x3FFB];
	_ =	sdelay $0x3  }
0x92: {  	_ =	strace s17  }
0x93: {  	s2 =	sld [smem:$0x3FFC];
	_ =	sdelay $0x3  }
0x94: {  	_ =	strace s2  }
0x95: {  	s2 =	sld [smem:$0x3FFD];
	_ =	sdelay $0x3  }
0x96: {  	_ =	strace s2  }
0x97: {  	_ =	strace $0x8FFFFFFF  }
0x98: {  	s18 =	sld [smem:$0x3FDB];
	_ =	sdelay $0x1  }
0x99: {  	s19 =	simm.s32 $_scs_section_size  }
0x9a: {  	s4 =	simm.s32 $_size__tile_overlayer_lowered;
	s5 =	simm.s32 $_tile_overlayer_lowered  }
0x9b: {  	s22 =	simm.s32 $0x1BFF;
	s21 =	sshll.u32 s5, $0x1;
	s2 =	sadd.s32 s19, s18  }
0x9c: {  	s6 =	simm.s32 $0x0;
	s20 =	sshll.u32 s4, $0x1;
	s4 =	sadd.s32 s21, s2  }
0x9d: {  	[timem:s6], [sflag:s22] =	dma.local [hbm:s4], s20  }
0x9e: {  	_ =	swait.ge [sflag:s22], s20  }
0x9f: {  	s3 =	ssub.s32 $0x0, s20;
	[sflag:s22] =	ssyncset.done $0x0  }
0xa0: {  	[sflag:s22] =	ssyncadd.s32 s3;
	_ =	sdelay $0x1  }
0xa1: {  	s23 =	simm.s32 $0x1B8B  }
0xa2: {  	_ =	swait.ge [sflag:s23], $0x1  }
0xa3: {  	[sflag:s23] =	ssyncset.done $0x0  }
0xa4: {  	s25 =	simm.s32 $0x1B8E;
	s24 =	sld [smem:$0x3FFE];
	[sflag:s23] =	ssyncadd.s32 $0xFFFFFFFF  }
0xa5: {  	s26 =	simm.s32 $execute0_lowered;
	[smem:$0x3FD2] =	sst s25  }
0xa6: {  	s4 =	sshll.u32 s26, $0x1;
	_ =	strace $0x80000046;
	[dreg:$0x1] =	wrdreg $0xFFFFFFFF  }
0xa7: {  	s28 =	simm.s32 $_size_execute0_lowered;
	s2 =	sadd.s32 s2, s4;
	[dreg:$0x0] =	wrdreg $0x0  }
0xa8: {  	s4 =	sshll.u32 s28, $0x1;
	[dreg:$0x2] =	wrdreg s2  }
0xa9: {  	[dreg:$0x3] =	wrdreg s4  }
0xaa: {  	[dreg:$0x4] =	wrdreg $0xC0  }
0xab: {  	_ =	task [dreg:s6], $0x5FFFF  }
0xac: {  	[dreg:$0x1] =	wrdreg $0xFFFFFFFF  }
0xad: {  	[dreg:$0x0] =	wrdreg $0x60  }
0xae: {  	[dreg:$0x2] =	wrdreg s24  }
0xaf: {  	[dreg:$0x3] =	wrdreg $0x9  }
0xb0: {  	_ =	task.clear_ibuf [dreg:s6], $0x4FFFF;
	_ =	strace $0x90000046  }
0xb1: {  	s29 =	simm.s32 $0x9;
	_ =	strace $0x80000048  }
0xb2: {  	_ =	swait.ge [sflag:s29], $0x1  }
0xb3: {  	[sflag:s29] =	ssyncadd.s32 $0xFFFFFFFF  }
0xb4: {  	_ =	strace $0x90000048  }
0xb5: {  	_ =	sfence  }
0xb6: {  	s30 =	sld [smem:$0x0];
	_ =	sdelay $0x2  }
0xb7: {  	s31 =	sshll.u32 s1, $0xD;
	s1 =	sshrl.u32 s1, $0x2  }
0xb8: {  	s3 =	sand.u32 $0x4000, s31;
	s1 =	sadd.s32 s1, s30  }
0xb9: {  	s0 =	sor.u32 s3, s0;
	s1 =	sshll.u32 s1, $0x11  }
0xba: {  	s0 =	sor.u32 s1, s0  }
0xbb: {  	s0 =	sadd.s32 $0x8F2B, s0  }
0xbc: {  	[sflag:s0] =	ssyncadd.remote.s32 $0x1  }
0xbd: {  	_ =	sfence.sel $0xFFFF  }
0xbe: {  	[dreg:$0x0] =	wrdreg $0xFFFFFFFF;
	(pc) =	sbr.abs _section_cstart, $3  }
0xbf: {  	[dreg:$0x1] =	wrdreg $0xFFFFFFFF  }
0xc0: {  	_ =	task.clear_ibuf [dreg:s6], $0x2FFFF;
	_ =	strace $0x9FFFFFFF  }
0xc1: {  	(tm) =	ssettm $0x7FFFFFFF  }
tec
execute0_lowered:
.L_overlay_start_1:
0x0: {  	(tag) =	ssettag $0x1  }
0x1: {  	s4 =	rddreg [dreg:$0x0]  }
0x2: {  	s0 =	rddreg [dreg:$0x1];
	s2 =	simm.s32 $0x0;
	s3 =	srdreg.scid  }
0x3: {  	s1 =	stileid.u32;
	s10 =	simm.s32 $0x1;
	s11 =	simm.s32 $0x0  }
0x4: {  	[smem:$0x7FF] =	sst s2;
	s5 =	sand.u32 $0x1, s3;
	s6 =	sshll.u32 s1, $0xA  }
0x5: {  	s3 =	sadd.s32 $0x2400, s4;
	s8 =	sshll.u32 s1, $0x11;
	_ =	strace $0x80000047  }
0x6: {  	s7 =	sshll.u32 s5, $0x9;
	s29 =	ssub.s32 $0x2, s5;
	s8 =	sadd.s32 s8, s4  }
0x7: {  	s30 =	sshll.u32 s5, $0x10;
	s6 =	sor.u32 s7, s6;
	s9 =	sshrl.u32 s29, $0x1  }
0x8: {  	s31 =	sadd.s32 s30, s8;
	s8 =	simm.s32 $0x80;
	s6 =	sadd.s32 s6, s4  }
0x9: {  	s7 =	ssub.s32 s29, s9;
	s9 =	simm.s32 $0x1000;
	s4 =	sadd.s32 $0x22400, s6  }
0xa: {  	s5 =	smax.u32 s7, $0x1;
	s6 =	sadd.s32 $0x26400, s31;
	s7 =	simm.s32 $0x2  }
.LBB2_1:
0xb: {  	[tilespmem:s2], [sflag:$0x2] =	stream.linear.gather [hbm4b:s4+s2], $0x1000, $0x38;
	[tilespmem:$0x5000] =	vst v63  }
0xc: {  	_ =	swait.ge [sflag:s7], $0x1000  }
0xd: {  	[sflag:s7] =	ssyncset.done $0x0  }
0xe: {  	s12 =	simm.s32 $0x0;
	[sflag:s7] =	ssyncadd.s32 $0xFFFFF000  }
0xf: {  	[tilespmem:s9], [sflag:$0x1] =	stream.indirect.gather [hbm4b:s3+s8], $0x80, s12, s8, $0xb8;
	[tilespmem:$0x5000] =	vst v63  }
0x10: {  	_ =	swait.ge [sflag:s10], $0x4000  }
0x11: {  	[sflag:s10] =	ssyncset.done $0x0  }
0x12: {  	[sflag:s10] =	ssyncadd.s32 $0xFFFFC000  }
0x13: {  	[hbm4b:s6+s2] =	stream.linear.scatter [tilespmem:s9], [sflag:$0x2], $0x4000, $0x38;
	[tilespmem:$0x5000] =	vst v63  }
0x14: {  	s13 =	simm.s32 $0x200;
	_ =	swait.ge [sflag:s7], $0x4000  }
0x15: {  	s14 =	simm.s32 $0x400;
	s12 =	sadd.s32 $0x800, s6;
	[sflag:s7] =	ssyncset.done $0x0  }
.LBB2_2:
0x16: {  	s15 =	sshra.s32 s13, $0x2  }
0x17: {  	[sflag:s7] =	ssyncadd.s32 $0xFFFFC000;
	s13 =	smov.u32 s14;
	s16 =	sadd.s32 $0x200, s14  }
0x18: {  	[tilespmem:s9], [sflag:$0x1] =	stream.indirect.gather [hbm4b:s3+s8], $0x80, s15, s8, $0xb8;
	[tilespmem:$0x5000] =	vst v63  }
0x19: {  	p0 =	sne.s32 s14, $0x3E00;
	_ =	swait.ge [sflag:s10], $0x4000  }
.Ltmp0:
0x1a: {  	[sflag:s10] =	ssyncset.done $0x0;
	(pc) =	sbr.rel @p0 .LBB2_2-.Ltmp0, $4  }
0x1b: {  	[sflag:s10] =	ssyncadd.s32 $0xFFFFC000  }
0x1c: {  	[hbm4b:s12+s2] =	stream.linear.scatter [tilespmem:s9], [sflag:$0x2], $0x4000, $0x38;
	[tilespmem:$0x5000] =	vst v63  }
0x1d: {  	_ =	swait.ge [sflag:s7], $0x4000  }
0x1e: {  	s14 =	smov.u32 s16;
	s12 =	sadd.s32 $0x800, s12;
	[sflag:s7] =	ssyncset.done $0x0  }
0x1f: {  	s13 =	sshra.s32 s13, $0x2;
	[sflag:s7] =	ssyncadd.s32 $0xFFFFC000  }
0x20: {  	[tilespmem:s9], [sflag:$0x1] =	stream.indirect.gather [hbm4b:s3+s8], $0x80, s13, s8, $0xb8;
	[tilespmem:$0x5000] =	vst v63  }
0x21: {  	s11 =	sadd.s32 $0x1, s11;
	_ =	swait.ge [sflag:s10], $0x4000  }
0x22: {  	p0 =	sne.s32 s11, s5;
	[sflag:s10] =	ssyncset.done $0x0  }
.Ltmp1:
0x23: {  	[sflag:s10] =	ssyncadd.s32 $0xFFFFC000;
	(pc) =	sbr.rel @p0 .LBB2_1-.Ltmp1, $4  }
0x24: {  	[hbm4b:s12+s2] =	stream.linear.scatter [tilespmem:s9], [sflag:$0x2], $0x4000, $0x38;
	[tilespmem:$0x5000] =	vst v63  }
0x25: {  	_ =	swait.ge [sflag:s7], $0x4000  }
0x26: {  	[sflag:s7] =	ssyncset.done $0x0  }
0x27: {  	[sflag:s7] =	ssyncadd.s32 $0xFFFFC000  }
0x28: {  	_ =	sfence.sel $0x180000  }
0x29: {  	[bflag:$0x0] =	sbarrier.arrive $0xFFFF  }
0x2a: {  	p0 =	sne.s32 s1, $0x0;
	_ =	strace $0x90000047  }
0x2b: {  	s0 =	sadd.s32 @!p0 $0x100000, s0;
	[bflag:$0x2] =	sbarrier.arrive $0xFFFF  }
0x2c: {  	[sflag:s0] =	ssyncadd.tile.s32 @!p0 $0x1;
	_ =	shalt  }
.Lfunc_end2:
_tile_overlayer_lowered:
.L_overlay_start_2:
0x2d: {  	(tag) =	ssettag $0x2  }
0x2e: {  	s0 =	rddreg [dreg:$0x0];
	s2 =	stileid.u32  }
0x2f: {  	s1 =	rddreg [dreg:$0x1];
	p0 =	sne.s32 s2, $0x0  }
0x30: {  	s3 =	rddreg [dreg:$0x2];
	[bflag:$0x3] =	sbarrier.arrive $0xFFFF;
	s2 =	simm.s32 @!p0 $0x1C02  }
0x31: {  	[timem:s3], [sflag:s2] =	dma.local @!p0 [hbm:s0], s1  }
0x32: {  	s0 =	simm.s32 @!p0 $0x2  }
0x33: {  	_ =	swait.ge @!p0 [sflag:s0], s1  }
0x34: {  	s1 =	ssub.s32 @!p0 $0x0, s1;
	[sflag:s0] =	ssyncset.done @!p0 $0x0  }
0x35: {  	[sflag:s0] =	ssyncadd.s32 @!p0 s1  }
0x36: {  	[bflag:$0x3] =	sbarrier.arrive $0xFFFF  }
0x37: {  	_ =	shalt  }

</sc_bundles>
